<compile_context>
chip_gen: v7x
topology: tpu7x:2x2x1
jax: 0.10.2.dev20260603
libtpu: 0.0.44.dev20260713+nightly
codegen_flags: <defaults>
</compile_context>

<pallas_src>
import functools

import jax
import jax.numpy as jnp
from jax import lax
from jax.experimental import pallas as pl
from jax.experimental.pallas import tpu as pltpu
from jax.experimental.pallas import tpu_sc as plsc

_OMEGA_0 = 30.0
_LN_EPS = 1e-5

_NC = 2
_NS = 16
_NW = _NC * _NS
_LANE = 128


def _coef_parts(W1, b1, g, beta):
    w = W1.reshape(-1).astype(jnp.float32)
    mW = jnp.mean(w)
    mb = jnp.mean(b1)
    wc = w - mW
    bc = b1 - mb
    p = _OMEGA_0 * g * wc
    q = _OMEGA_0 * g * bc
    r = _OMEGA_0 * beta
    c2 = jnp.mean(wc * wc)
    c1 = 2.0 * jnp.mean(wc * bc)
    c0 = jnp.mean(bc * bc) + _LN_EPS
    return p, q, r, c2, c1, c0


def _sc_gather(itab, utab, it_p, ut_p, iidx, uidx, et, E_pad, H, R):
    mesh = plsc.VectorSubcoreMesh(core_axis_name="c", subcore_axis_name="s",
                                  num_cores=_NC, num_subcores=_NS)
    n_pad = ut_p.shape[0]
    rows = E_pad // _LANE

    @functools.partial(
        pl.kernel,
        out_type=[
            jax.ShapeDtypeStruct((E_pad, H), jnp.float32),
            jax.ShapeDtypeStruct((E_pad, H), jnp.float32),
            jax.ShapeDtypeStruct((rows, _LANE), jnp.float32),
            jax.ShapeDtypeStruct((rows, _LANE), jnp.float32),
        ],
        mesh=mesh,
        scratch_types=[
            pltpu.VMEM((n_pad,), jnp.float32),
            pltpu.VMEM((n_pad,), jnp.float32),
            pltpu.VMEM((R, _LANE), jnp.int32),
            pltpu.VMEM((R, _LANE), jnp.int32),
            pltpu.VMEM((R, _LANE), jnp.float32),
            pltpu.VMEM((R, _LANE), jnp.float32),
            pltpu.VMEM((R * _LANE, H), jnp.float32),
            pltpu.SemaphoreType.DMA,
            pltpu.SemaphoreType.DMA,
        ],
        compiler_params=pltpu.CompilerParams(needs_layout_passes=False,
                                             use_tc_tiling_on_sc=False),
    )
    def gather_kernel(itab_hbm, utab_hbm, it_hbm, ut_hbm, iidx_hbm, uidx_hbm,
                      et_hbm, ie_out, ue_out, reli_out, relu_out,
                      ut_v, it_v, uidx_v, iidx_v, reli_v, relu_v,
                      buf, sem_g, sem_t):
        wid = lax.axis_index("s") * _NC + lax.axis_index("c")
        row0 = wid * R
        e0 = row0 * _LANE
        t1 = pltpu.async_copy(ut_hbm, ut_v, sem_t)
        t2 = pltpu.async_copy(it_hbm, it_v, sem_t)
        pltpu.sync_copy(uidx_hbm.at[pl.ds(row0, R)], uidx_v)
        pltpu.sync_copy(iidx_hbm.at[pl.ds(row0, R)], iidx_v)
        pltpu.sync_copy(et_hbm.at[pl.ds(row0, R)], reli_v)
        pltpu.sync_copy(et_hbm.at[pl.ds(row0, R)], relu_v)

        @pl.loop(0, R)
        def _(r):
            pltpu.async_copy(itab_hbm.at[iidx_v.at[r]],
                             buf.at[pl.ds(r * _LANE, _LANE)], sem_g)
        t1.wait()
        t2.wait()

        @pl.loop(0, R)
        def _(r):
            @pl.loop(0, _LANE // 16)
            def _(j):
                sl = pl.ds(j * 16, 16)
                reli_v[r, sl] = (plsc.load_gather(ut_v, [uidx_v[r, sl]])
                                 - reli_v[r, sl])
                relu_v[r, sl] = (plsc.load_gather(it_v, [iidx_v[r, sl]])
                                 - relu_v[r, sl])

        pltpu.sync_copy(reli_v, reli_out.at[pl.ds(row0, R)])
        pltpu.sync_copy(relu_v, relu_out.at[pl.ds(row0, R)])

        pltpu.make_async_copy(ie_out.at[pl.ds(e0, R * _LANE)], buf,
                              sem_g).wait()
        pltpu.sync_copy(buf, ie_out.at[pl.ds(e0, R * _LANE)])

        @pl.loop(0, R)
        def _(r):
            pltpu.async_copy(utab_hbm.at[uidx_v.at[r]],
                             buf.at[pl.ds(r * _LANE, _LANE)], sem_g)
        pltpu.make_async_copy(ue_out.at[pl.ds(e0, R * _LANE)], buf,
                              sem_g).wait()
        pltpu.sync_copy(buf, ue_out.at[pl.ds(e0, R * _LANE)])

    return gather_kernel(itab, utab, it_p, ut_p, iidx, uidx, et)


def _tc_messages(reli, relu, ie_rows, ue_rows, coefp, c4, W2p, b2p, G, T,
                 E_pad, H, B):
    HH = H * H
    grid = (E_pad // B,)

    def body(reli_ref, relu_ref, ie_ref, ue_ref, coef_ref, c4_ref, w2_ref,
             b2_ref, g_ref, t_ref, msgu_ref, msgi_ref):
        rel_i = reli_ref[...]
        rel_u = relu_ref[...]
        c2i = coef_ref[3:4, 0:1]
        c1i = coef_ref[3:4, 1:2]
        c0i = coef_ref[3:4, 2:3]
        c2u = coef_ref[3:4, 3:4]
        c1u = coef_ref[3:4, 4:5]
        c0u = coef_ref[3:4, 5:6]
        d_i = lax.rsqrt(rel_i * rel_i * c2i + rel_i * c1i + c0i)
        d_u = lax.rsqrt(rel_u * rel_u * c2u + rel_u * c1u + c0u)
        lane = lax.broadcasted_iota(jnp.int32, (B, _LANE), 1)
        left = lane < (_LANE // 2)
        X = jnp.where(left, rel_i * d_i, rel_u * d_u)
        D = jnp.where(left, d_i, d_u)
        p = coef_ref[0:1, :]
        q = coef_ref[1:2, :]
        r = coef_ref[2:3, :]
        del c4_ref
        y = X * p + D * q + r
        n = jnp.round(y * jnp.float32(0.3183098861837907))
        x = y - n * jnp.float32(3.140625) - n * jnp.float32(9.67653589793e-4)
        x2 = x * x
        poly = jnp.float32(-2.755731922e-6)
        poly = poly * x2 + jnp.float32(1.984126984e-4)
        poly = poly * x2 + jnp.float32(-8.333333333e-3)
        poly = poly * x2 + jnp.float32(1.666666667e-1)
        s = x - x * x2 * poly
        odd = (n.astype(jnp.int32) & 1) == 1
        s = jnp.where(odd, -s, s)
        ker = jnp.dot(s, w2_ref[...],
                      preferred_element_type=jnp.float32) + b2_ref[...]
        keri = ker[:, :HH]
        keru = ker[:, HH:]
        embt_i = jnp.dot(ie_ref[...], t_ref[...],
                         preferred_element_type=jnp.float32)
        embt_u = jnp.dot(ue_ref[...], t_ref[...],
                         preferred_element_type=jnp.float32)
        msgu_ref[...] = jnp.dot(keri * embt_i, g_ref[...],
                                preferred_element_type=jnp.float32)
        msgi_ref[...] = jnp.dot(keru * embt_u, g_ref[...],
                                preferred_element_type=jnp.float32)

    full = lambda shape: pl.BlockSpec(shape, lambda i: (0, 0))
    return pl.pallas_call(
        body,
        grid=grid,
        in_specs=[
            pl.BlockSpec((B, 1), lambda i: (i, 0)),
            pl.BlockSpec((B, 1), lambda i: (i, 0)),
            pl.BlockSpec((B, H), lambda i: (i, 0)),
            pl.BlockSpec((B, H), lambda i: (i, 0)),
            full((8, _LANE)),
            full((4, _LANE)),
            full((_LANE, 2 * HH)),
            full((1, 2 * HH)),
            full((HH, H)),
            full((H, HH)),
        ],
        out_specs=[
            pl.BlockSpec((B, H), lambda i: (i, 0)),
            pl.BlockSpec((B, H), lambda i: (i, 0)),
        ],
        out_shape=[
            jax.ShapeDtypeStruct((E_pad, H), jnp.float32),
            jax.ShapeDtypeStruct((E_pad, H), jnp.float32),
        ],
        compiler_params=pltpu.CompilerParams(
            dimension_semantics=("parallel",)),
    )(reli, relu, ie_rows, ue_rows, coefp, c4, W2p, b2p, G, T)


def _sc_scatter(msgu, msgi, uidx, iidx, N_pad, H, R):
    mesh = plsc.VectorSubcoreMesh(core_axis_name="c", subcore_axis_name="s",
                                  num_cores=_NC, num_subcores=_NS)
    ZR = N_pad // _NS

    @functools.partial(
        pl.kernel,
        out_type=[
            jax.ShapeDtypeStruct((_NC, N_pad, H), jnp.float32),
            jax.ShapeDtypeStruct((_NC, N_pad, H), jnp.float32),
        ],
        mesh=mesh,
        scratch_types=[
            pltpu.VMEM_SHARED((N_pad, H), jnp.float32),
            pltpu.VMEM_SHARED((N_pad, H), jnp.float32),
            pltpu.VMEM((ZR, H), jnp.float32),
            pltpu.VMEM((R, _LANE), jnp.int32),
            pltpu.VMEM((R, _LANE), jnp.int32),
            pltpu.VMEM((R * _LANE, H), jnp.float32),
            pltpu.SemaphoreType.DMA,
        ],
        compiler_params=pltpu.CompilerParams(needs_layout_passes=False,
                                             use_tc_tiling_on_sc=False),
    )
    def scatter_kernel(msgu_hbm, msgi_hbm, uidx_hbm, iidx_hbm, pu_out, pi_out,
                       acc_u, acc_i, zbuf, uidx_v, iidx_v, mbuf, sem):
        cid = lax.axis_index("c")
        sid = lax.axis_index("s")
        wid = sid * _NC + cid
        row0 = wid * R
        e0 = row0 * _LANE

        m1 = pltpu.async_copy(msgu_hbm.at[pl.ds(e0, R * _LANE)], mbuf, sem)
        pltpu.sync_copy(uidx_hbm.at[pl.ds(row0, R)], uidx_v)
        pltpu.sync_copy(iidx_hbm.at[pl.ds(row0, R)], iidx_v)

        @pl.loop(0, ZR)
        def _(z):
            zbuf[z] = jnp.zeros((H,), jnp.float32)

        pltpu.sync_copy(zbuf, acc_u.at[pl.ds(sid * ZR, ZR)])
        pltpu.sync_copy(zbuf, acc_i.at[pl.ds(sid * ZR, ZR)])
        m1.wait()
        plsc.subcore_barrier()

        @pl.loop(0, R)
        def _(r):
            pltpu.async_copy(mbuf.at[pl.ds(r * _LANE, _LANE)],
                             acc_u.at[uidx_v.at[r]], sem, add=True)
        pltpu.make_async_copy(msgu_hbm.at[pl.ds(e0, R * _LANE)], mbuf,
                              sem).wait()

        pltpu.sync_copy(msgi_hbm.at[pl.ds(e0, R * _LANE)], mbuf)

        @pl.loop(0, R)
        def _(r):
            pltpu.async_copy(mbuf.at[pl.ds(r * _LANE, _LANE)],
                             acc_i.at[iidx_v.at[r]], sem, add=True)
        pltpu.make_async_copy(msgi_hbm.at[pl.ds(e0, R * _LANE)], mbuf,
                              sem).wait()

        plsc.subcore_barrier()
        pltpu.sync_copy(acc_u.at[pl.ds(sid * ZR, ZR)],
                        pu_out.at[cid, pl.ds(sid * ZR, ZR)])
        pltpu.sync_copy(acc_i.at[pl.ds(sid * ZR, ZR)],
                        pi_out.at[cid, pl.ds(sid * ZR, ZR)])

    return scatter_kernel(msgu, msgi, uidx, iidx)


def _tc_combine(pu0, pu1, pi0, pi1, n_users, n_items, H):
    def body(a_ref, b_ref, c_ref, d_ref, u_ref, i_ref):
        u_ref[...] = a_ref[:n_users, :] + b_ref[:n_users, :]
        i_ref[...] = c_ref[:n_items, :] + d_ref[:n_items, :]

    return pl.pallas_call(
        body,
        out_shape=[
            jax.ShapeDtypeStruct((n_users, H), jnp.float32),
            jax.ShapeDtypeStruct((n_items, H), jnp.float32),
        ],
    )(pu0, pu1, pi0, pi1)


def kernel(u_embedded, i_embedded, user_per_trans, item_per_trans, edges_t,
           u_t, i_t, Wu1, bu1, gu, betau, Wu2, bu2, Wi1, bi1, gi, betai,
           Wi2, bi2):
    E = edges_t.shape[0]
    H = u_embedded.shape[1]
    HH = H * H
    KH = Wu2.shape[0]
    n_users = u_embedded.shape[0]
    n_items = i_embedded.shape[0]

    chunk = _NW * _LANE
    E_pad = ((E + chunk - 1) // chunk) * chunk
    R = E_pad // chunk
    rows = E_pad // _LANE
    npad_unit = _NS * 8 * 8
    N_pad = max(((n_users + 1 + npad_unit - 1) // npad_unit) * npad_unit,
                ((n_items + 1 + npad_unit - 1) // npad_unit) * npad_unit)

    ui = user_per_trans.astype(jnp.int32)
    ii = item_per_trans.astype(jnp.int32)
    pad = E_pad - E
    uidx = jnp.concatenate([ui, jnp.full((pad,), n_users, jnp.int32)])
    iidx = jnp.concatenate([ii, jnp.full((pad,), n_items, jnp.int32)])
    uidx = uidx.reshape(rows, _LANE)
    iidx = iidx.reshape(rows, _LANE)
    et = jnp.concatenate([edges_t, jnp.zeros((pad,), jnp.float32)])
    et = et.reshape(rows, _LANE)

    utab = jnp.zeros((N_pad, H), jnp.float32).at[:n_users].set(u_embedded)
    itab = jnp.zeros((N_pad, H), jnp.float32).at[:n_items].set(i_embedded)
    ut_p = jnp.zeros((N_pad,), jnp.float32).at[:n_users].set(u_t)
    it_p = jnp.zeros((N_pad,), jnp.float32).at[:n_items].set(i_t)

    half = _LANE // 2
    assert KH <= half, "kernel-net hidden width must fit a half vector"
    pi_, qi_, ri_, c2i, c1i, c0i = _coef_parts(Wi1, bi1, gi, betai)
    pu_, qu_, ru_, c2u, c1u, c0u = _coef_parts(Wu1, bu1, gu, betau)
    row3 = jnp.zeros((_LANE,), jnp.float32)
    row3 = row3.at[0].set(c2i).at[1].set(c1i).at[2].set(c0i)
    row3 = row3.at[3].set(c2u).at[4].set(c1u).at[5].set(c0u)
    coefp = jnp.zeros((8, _LANE), jnp.float32)
    coefp = (coefp.at[0, :KH].set(pi_).at[1, :KH].set(qi_).at[2, :KH].set(ri_)
             .at[0, half:half + KH].set(pu_).at[1, half:half + KH].set(qu_)
             .at[2, half:half + KH].set(ru_).at[3].set(row3))
    W2p = jnp.zeros((_LANE, 2 * HH), jnp.float32)
    W2p = W2p.at[:KH, :HH].set(Wi2).at[half:half + KH, HH:].set(Wu2)
    b2p = jnp.concatenate([bi2, bu2]).reshape(1, 2 * HH)
    G = jnp.kron(jnp.eye(H, dtype=jnp.float32),
                 jnp.ones((H, 1), jnp.float32))
    T = jnp.kron(jnp.ones((1, H), jnp.float32),
                 jnp.eye(H, dtype=jnp.float32))
    lmask = (jnp.arange(_LANE) < half).astype(jnp.float32)
    c4 = jnp.stack([coefp[0] * lmask, coefp[1] * lmask,
                    coefp[0] * (1.0 - lmask), coefp[1] * (1.0 - lmask)])

    ie_rows, ue_rows, reli2d, relu2d = _sc_gather(
        itab, utab, it_p, ut_p, iidx, uidx, et, E_pad, H, R)
    reli = reli2d.reshape(E_pad, 1)
    relu = relu2d.reshape(E_pad, 1)

    msgu, msgi = _tc_messages(reli, relu, ie_rows, ue_rows, coefp, c4,
                              W2p, b2p, G, T, E_pad, H, B=4096)

    pu, pi = _sc_scatter(msgu, msgi, uidx, iidx, N_pad, H, R)

    hLu, hLi = _tc_combine(pu[0], pu[1], pi[0], pi[1], n_users, n_items, H)
    return (hLu, hLi)

# --- scband reference (transcript-rebuilt; emitter-appended) ---
"""Pipeline reference for scband-ckconv-63282048139273 (READ-ONLY COPY).

The authoritative reference and input builder live on the scoring server;
editing this copy changes nothing except your own understanding.
"""

import jax, jax.numpy as jnp
import numpy as np

OMEGA_0 = 30.0
LN_EPS = 1e-5


def kernel_net(x, W1, b1, g, beta, W2, b2):
    # x: [E, 1] continuous relative-time input
    h = x @ W1 + b1                      # Linear(1 -> 50)
    mu = jnp.mean(h, axis=-1, keepdims=True)
    var = jnp.var(h, axis=-1, keepdims=True)
    h = (h - mu) / jnp.sqrt(var + LN_EPS) * g + beta   # LayerNorm(50)
    h = jnp.sin(OMEGA_0 * h)             # Sine activation (SIREN), dropout=identity at eval
    return h @ W2 + b2                   # Linear(50 -> H*H)


def setup_inputs(seed: int = 0) -> dict:
    key = jax.random.key(seed)
    ks = jax.random.split(key, 24)
    n_users, n_items, E, H, KH = 10000, 10000, 160000, 16, 50
    d = {}
    d["u_embedded"] = jax.random.normal(ks[0], (n_users, H), jnp.float32)
    d["i_embedded"] = jax.random.normal(ks[1], (n_items, H), jnp.float32)
    d["user_per_trans"] = jax.random.randint(ks[2], (E,), 0, n_users, jnp.int64 if jax.config.jax_enable_x64 else jnp.int32)
    d["item_per_trans"] = jax.random.randint(ks[3], (E,), 0, n_items, jnp.int64 if jax.config.jax_enable_x64 else jnp.int32)
    d["edges_t"] = jax.random.uniform(ks[4], (E,), jnp.float32)
    d["u_t"] = jax.random.uniform(ks[5], (n_users,), jnp.float32)
    d["i_t"] = jax.random.uniform(ks[6], (n_items,), jnp.float32)
    # KernelNet (users) params: Linear(1->50), LayerNorm(50), Linear(50->H*H)
    d["Wu1"] = jax.random.uniform(ks[7], (1, KH), jnp.float32, -1.0, 1.0)
    d["bu1"] = jnp.zeros((KH,), jnp.float32)
    d["gu"] = jnp.ones((KH,), jnp.float32)
    d["betau"] = jnp.zeros((KH,), jnp.float32)
    d["Wu2"] = jax.random.uniform(ks[8], (KH, H * H), jnp.float32, -1.0, 1.0) * (np.sqrt(6.0 / KH) / OMEGA_0)
    d["bu2"] = jnp.zeros((H * H,), jnp.float32)
    # KernelNet (items) params
    d["Wi1"] = jax.random.uniform(ks[9], (1, KH), jnp.float32, -1.0, 1.0)
    d["bi1"] = jnp.zeros((KH,), jnp.float32)
    d["gi"] = jnp.ones((KH,), jnp.float32)
    d["betai"] = jnp.zeros((KH,), jnp.float32)
    d["Wi2"] = jax.random.uniform(ks[10], (KH, H * H), jnp.float32, -1.0, 1.0) * (np.sqrt(6.0 / KH) / OMEGA_0)
    d["bi2"] = jnp.zeros((H * H,), jnp.float32)
    return d


def reference(u_embedded, i_embedded, user_per_trans, item_per_trans, edges_t, u_t, i_t,
              Wu1, bu1, gu, betau, Wu2, bu2, Wi1, bi1, gi, betai, Wi2, bi2):
    E = edges_t.shape[0]
    H = u_embedded.shape[1]
    relative_i = u_t[user_per_trans] - edges_t
    relative_u = i_t[item_per_trans] - edges_t
    # td_correction = False -> propensities = 1
    user_kernels = kernel_net(relative_u[:, None], Wu1, bu1, gu, betau, Wu2, bu2).reshape(E, H, H)
    item_kernels = kernel_net(relative_i[:, None], Wi1, bi1, gi, betai, Wi2, bi2).reshape(E, H, H)
    item_messages = jnp.squeeze(item_kernels @ i_embedded[item_per_trans][:, :, None], -1)
    hLu = jnp.zeros_like(u_embedded).at[user_per_trans].add(item_messages)
    user_messages = jnp.squeeze(user_kernels @ u_embedded[user_per_trans][:, :, None], -1)
    hLi = jnp.zeros_like(i_embedded).at[item_per_trans].add(user_messages)
    return (hLu, hLi)

if __name__ == "__main__":
    import jax
    _d = setup_inputs()
    print(jax.jit(kernel)(*tuple(_d.values())))

</pallas_src>

<mosaic_0001>
#map = affine_map<(d0, d1) -> (0, 0)>
#map1 = affine_map<(d0, d1) -> (0, 0, 0)>
module attributes {stable_mosaic.version = 14 : i64} {
  func.func @scatter_kernel(%arg0: i32, %arg1: i32, %arg2: memref<163840x16xf32, #tpu.memory_space<hbm>>, %arg3: memref<163840x16xf32, #tpu.memory_space<hbm>>, %arg4: memref<1280x128xi32, #tpu.memory_space<hbm>>, %arg5: memref<1280x128xi32, #tpu.memory_space<hbm>>, %arg6: memref<2x10240x16xf32, #tpu.memory_space<hbm>>, %arg7: memref<2x10240x16xf32, #tpu.memory_space<hbm>>, %arg8: memref<10240x16xf32, #tpu.memory_space<vmem_shared>>, %arg9: memref<10240x16xf32, #tpu.memory_space<vmem_shared>>, %arg10: memref<640x16xf32, #tpu.memory_space<vmem>>, %arg11: memref<40x128xi32, #tpu.memory_space<vmem>>, %arg12: memref<40x128xi32, #tpu.memory_space<vmem>>, %arg13: memref<5120x16xf32, #tpu.memory_space<vmem>>, %arg14: memref<!tpu.dma_semaphore, #tpu.memory_space<semaphore_mem>>) attributes {dimension_semantics = [#tpu.dimension_semantics<core_parallel>, #tpu.dimension_semantics<subcore_parallel>], iteration_bounds = array<i64: 2, 16>, scalar_prefetch = 0 : i64, scratch_operands = 7 : i64, tpu.core_type = #tpu.core_type<sc_vector_subcore>, window_params = [{transform_indices = #map}, {transform_indices = #map}, {transform_indices = #map}, {transform_indices = #map}, {transform_indices = #map1}, {transform_indices = #map1}]} {
    %mul3A = arith.constant 2 : i32
    %mul3A_0 = arith.muli %arg1, %mul3A : i32
    %add3A = arith.addi %mul3A_0, %arg0 : i32
    %mul3A_1 = arith.constant 40 : i32
    %mul3A_2 = arith.muli %add3A, %mul3A_1 : i32
    %mul3A_3 = arith.constant 128 : i32
    %mul3A_4 = arith.muli %mul3A_2, %mul3A_3 : i32
    %dma_start3A = arith.constant 0 : i32
    %dma_start3A_5 = tpu.memref_slice %arg2[%mul3A_4, %dma_start3A] : memref<163840x16xf32, #tpu.memory_space<hbm>> -> memref<5120x16xf32, #tpu.memory_space<hbm>>
    %dma_start3A_6 = arith.constant 0 : i32
    %dma_start3A_7 = tpu.memref_slice %arg2[%mul3A_4, %dma_start3A_6] : memref<163840x16xf32, #tpu.memory_space<hbm>> -> memref<5120x16xf32, #tpu.memory_space<hbm>>
    tpu.enqueue_dma source(%dma_start3A_7 : memref<5120x16xf32, #tpu.memory_space<hbm>>) target(%arg13 : memref<5120x16xf32, #tpu.memory_space<vmem>>) target_semaphore(%arg14 : memref<!tpu.dma_semaphore, #tpu.memory_space<semaphore_mem>>)
    "tpu.region"() ({
      %run_scoped3A = tpu.sem_alloc : memref<!tpu.dma_semaphore, #tpu.memory_space<semaphore_mem>>
      %dma_start3A_46 = arith.constant 0 : i32
      %dma_start3A_47 = tpu.memref_slice %arg4[%mul3A_2, %dma_start3A_46] : memref<1280x128xi32, #tpu.memory_space<hbm>> -> memref<40x128xi32, #tpu.memory_space<hbm>>
      %dma_start3A_48 = arith.constant 0 : i32
      %dma_start3A_49 = tpu.memref_slice %arg4[%mul3A_2, %dma_start3A_48] : memref<1280x128xi32, #tpu.memory_space<hbm>> -> memref<40x128xi32, #tpu.memory_space<hbm>>
      tpu.enqueue_dma source(%dma_start3A_49 : memref<40x128xi32, #tpu.memory_space<hbm>>) target(%arg11 : memref<40x128xi32, #tpu.memory_space<vmem>>) target_semaphore(%run_scoped3A : memref<!tpu.dma_semaphore, #tpu.memory_space<semaphore_mem>>)
      %dma_wait3A_50 = arith.constant 0 : i32
      %dma_wait3A_51 = tpu.memref_slice %arg4[%mul3A_2, %dma_wait3A_50] : memref<1280x128xi32, #tpu.memory_space<hbm>> -> memref<40x128xi32, #tpu.memory_space<hbm>>
      %dma_wait3A_52 = arith.constant 0 : i32
      %dma_wait3A_53 = tpu.memref_slice %arg4[%mul3A_2, %dma_wait3A_52] : memref<1280x128xi32, #tpu.memory_space<hbm>> -> memref<40x128xi32, #tpu.memory_space<hbm>>
      tpu.wait_dma2 semaphore(%run_scoped3A : memref<!tpu.dma_semaphore, #tpu.memory_space<semaphore_mem>>) src(%dma_wait3A_53 : memref<40x128xi32, #tpu.memory_space<hbm>>) dst(%arg11 : memref<40x128xi32, #tpu.memory_space<vmem>>)
      tpu.yield
    }) : () -> ()
    "tpu.region"() ({
      %run_scoped3A = tpu.sem_alloc : memref<!tpu.dma_semaphore, #tpu.memory_space<semaphore_mem>>
      %dma_start3A_46 = arith.constant 0 : i32
      %dma_start3A_47 = tpu.memref_slice %arg5[%mul3A_2, %dma_start3A_46] : memref<1280x128xi32, #tpu.memory_space<hbm>> -> memref<40x128xi32, #tpu.memory_space<hbm>>
      %dma_start3A_48 = arith.constant 0 : i32
      %dma_start3A_49 = tpu.memref_slice %arg5[%mul3A_2, %dma_start3A_48] : memref<1280x128xi32, #tpu.memory_space<hbm>> -> memref<40x128xi32, #tpu.memory_space<hbm>>
      tpu.enqueue_dma source(%dma_start3A_49 : memref<40x128xi32, #tpu.memory_space<hbm>>) target(%arg12 : memref<40x128xi32, #tpu.memory_space<vmem>>) target_semaphore(%run_scoped3A : memref<!tpu.dma_semaphore, #tpu.memory_space<semaphore_mem>>)
      %dma_wait3A_50 = arith.constant 0 : i32
      %dma_wait3A_51 = tpu.memref_slice %arg5[%mul3A_2, %dma_wait3A_50] : memref<1280x128xi32, #tpu.memory_space<hbm>> -> memref<40x128xi32, #tpu.memory_space<hbm>>
      %dma_wait3A_52 = arith.constant 0 : i32
      %dma_wait3A_53 = tpu.memref_slice %arg5[%mul3A_2, %dma_wait3A_52] : memref<1280x128xi32, #tpu.memory_space<hbm>> -> memref<40x128xi32, #tpu.memory_space<hbm>>
      tpu.wait_dma2 semaphore(%run_scoped3A : memref<!tpu.dma_semaphore, #tpu.memory_space<semaphore_mem>>) src(%dma_wait3A_53 : memref<40x128xi32, #tpu.memory_space<hbm>>) dst(%arg12 : memref<40x128xi32, #tpu.memory_space<vmem>>)
      tpu.yield
    }) : () -> ()
    %scan3A = arith.constant 0 : i32
    %scan3A_8 = arith.constant 640 : i32
    %scan3A_9 = arith.addi %scan3A, %scan3A_8 : i32
    %scan3A_10 = arith.constant 1 : i32
    scf.for %scan3A_46 = %scan3A to %scan3A_9 step %scan3A_10  : i32 {
      %mul3A_47 = arith.constant 1 : i32
      %mul3A_48 = arith.muli %scan3A_46, %mul3A_47 : i32
      %add3A_49 = arith.constant 0 : i32
      %add3A_50 = arith.addi %add3A_49, %mul3A_48 : i32
      %broadcast_in_dim3A = arith.constant 0.000000e+00 : f32
      %broadcast_in_dim3A_51 = vector.broadcast %broadcast_in_dim3A : f32 to vector<16xf32>
      %swap3A = arith.index_cast %add3A_50 : i32 to index
      %swap3A_52 = arith.constant 0 : index
      %swap3A_53 = tpu.vector_load %arg10[%swap3A, %swap3A_52] {strides = array<i32>} : memref<640x16xf32, #tpu.memory_space<vmem>>, vector<16xf32>,
      tpu.vector_store %arg10[%swap3A, %swap3A_52], %broadcast_in_dim3A_51 {strides = array<i32>} : memref<640x16xf32, #tpu.memory_space<vmem>>, vector<16xf32>,
    }
    %scan3A_11 = arith.constant 640 : i32
    %mul3A_12 = arith.constant 640 : i32
    %mul3A_13 = arith.muli %arg1, %mul3A_12 : i32
    "tpu.region"() ({
      %run_scoped3A = tpu.sem_alloc : memref<!tpu.dma_semaphore, #tpu.memory_space<semaphore_mem>>
      %dma_start3A_46 = arith.constant 0 : i32
      %dma_start3A_47 = tpu.memref_slice %arg8[%mul3A_13, %dma_start3A_46] : memref<10240x16xf32, #tpu.memory_space<vmem_shared>> -> memref<640x16xf32, #tpu.memory_space<vmem_shared>>
      %dma_start3A_48 = arith.constant 0 : i32
      %dma_start3A_49 = tpu.memref_slice %arg8[%mul3A_13, %dma_start3A_48] : memref<10240x16xf32, #tpu.memory_space<vmem_shared>> -> memref<640x16xf32, #tpu.memory_space<vmem_shared>>
      tpu.enqueue_dma source(%arg10 : memref<640x16xf32, #tpu.memory_space<vmem>>) target(%dma_start3A_49 : memref<640x16xf32, #tpu.memory_space<vmem_shared>>) target_semaphore(%run_scoped3A : memref<!tpu.dma_semaphore, #tpu.memory_space<semaphore_mem>>)
      %dma_wait3A_50 = arith.constant 0 : i32
      %dma_wait3A_51 = tpu.memref_slice %arg8[%mul3A_13, %dma_wait3A_50] : memref<10240x16xf32, #tpu.memory_space<vmem_shared>> -> memref<640x16xf32, #tpu.memory_space<vmem_shared>>
      %dma_wait3A_52 = arith.constant 0 : i32
      %dma_wait3A_53 = tpu.memref_slice %arg8[%mul3A_13, %dma_wait3A_52] : memref<10240x16xf32, #tpu.memory_space<vmem_shared>> -> memref<640x16xf32, #tpu.memory_space<vmem_shared>>
      tpu.wait_dma2 semaphore(%run_scoped3A : memref<!tpu.dma_semaphore, #tpu.memory_space<semaphore_mem>>) src(%arg10 : memref<640x16xf32, #tpu.memory_space<vmem>>) dst(%dma_wait3A_53 : memref<640x16xf32, #tpu.memory_space<vmem_shared>>)
      tpu.yield
    }) : () -> ()
    %mul3A_14 = arith.constant 640 : i32
    %mul3A_15 = arith.muli %arg1, %mul3A_14 : i32
    "tpu.region"() ({
      %run_scoped3A = tpu.sem_alloc : memref<!tpu.dma_semaphore, #tpu.memory_space<semaphore_mem>>
      %dma_start3A_46 = arith.constant 0 : i32
      %dma_start3A_47 = tpu.memref_slice %arg9[%mul3A_15, %dma_start3A_46] : memref<10240x16xf32, #tpu.memory_space<vmem_shared>> -> memref<640x16xf32, #tpu.memory_space<vmem_shared>>
      %dma_start3A_48 = arith.constant 0 : i32
      %dma_start3A_49 = tpu.memref_slice %arg9[%mul3A_15, %dma_start3A_48] : memref<10240x16xf32, #tpu.memory_space<vmem_shared>> -> memref<640x16xf32, #tpu.memory_space<vmem_shared>>
      tpu.enqueue_dma source(%arg10 : memref<640x16xf32, #tpu.memory_space<vmem>>) target(%dma_start3A_49 : memref<640x16xf32, #tpu.memory_space<vmem_shared>>) target_semaphore(%run_scoped3A : memref<!tpu.dma_semaphore, #tpu.memory_space<semaphore_mem>>)
      %dma_wait3A_50 = arith.constant 0 : i32
      %dma_wait3A_51 = tpu.memref_slice %arg9[%mul3A_15, %dma_wait3A_50] : memref<10240x16xf32, #tpu.memory_space<vmem_shared>> -> memref<640x16xf32, #tpu.memory_space<vmem_shared>>
      %dma_wait3A_52 = arith.constant 0 : i32
      %dma_wait3A_53 = tpu.memref_slice %arg9[%mul3A_15, %dma_wait3A_52] : memref<10240x16xf32, #tpu.memory_space<vmem_shared>> -> memref<640x16xf32, #tpu.memory_space<vmem_shared>>
      tpu.wait_dma2 semaphore(%run_scoped3A : memref<!tpu.dma_semaphore, #tpu.memory_space<semaphore_mem>>) src(%arg10 : memref<640x16xf32, #tpu.memory_space<vmem>>) dst(%dma_wait3A_53 : memref<640x16xf32, #tpu.memory_space<vmem_shared>>)
      tpu.yield
    }) : () -> ()
    %dma_wait3A = arith.constant 0 : i32
    %dma_wait3A_16 = tpu.memref_slice %arg2[%mul3A_4, %dma_wait3A] : memref<163840x16xf32, #tpu.memory_space<hbm>> -> memref<5120x16xf32, #tpu.memory_space<hbm>>
    %dma_wait3A_17 = arith.constant 0 : i32
    %dma_wait3A_18 = tpu.memref_slice %arg2[%mul3A_4, %dma_wait3A_17] : memref<163840x16xf32, #tpu.memory_space<hbm>> -> memref<5120x16xf32, #tpu.memory_space<hbm>>
    tpu.wait_dma2 semaphore(%arg14 : memref<!tpu.dma_semaphore, #tpu.memory_space<semaphore_mem>>) src(%dma_wait3A_18 : memref<5120x16xf32, #tpu.memory_space<hbm>>) dst(%arg13 : memref<5120x16xf32, #tpu.memory_space<vmem>>)
    %barrier3A = arith.constant 0 : index
    tpu.barrier barrier_id(%barrier3A)
    %scan3A_19 = arith.constant 0 : i32
    %scan3A_20 = arith.constant 40 : i32
    %scan3A_21 = arith.addi %scan3A_19, %scan3A_20 : i32
    %scan3A_22 = arith.constant 1 : i32
    scf.for %scan3A_46 = %scan3A_19 to %scan3A_21 step %scan3A_22  : i32 {
      %mul3A_47 = arith.constant 1 : i32
      %mul3A_48 = arith.muli %scan3A_46, %mul3A_47 : i32
      %add3A_49 = arith.constant 0 : i32
      %add3A_50 = arith.addi %add3A_49, %mul3A_48 : i32
      %mul3A_51 = arith.constant 128 : i32
      %mul3A_52 = arith.muli %add3A_50, %mul3A_51 : i32
      %dma_start3A_53 = arith.constant 0 : i32
      %dma_start3A_54 = tpu.memref_slice %arg13[%mul3A_52, %dma_start3A_53] : memref<5120x16xf32, #tpu.memory_space<vmem>> -> memref<128x16xf32, #tpu.memory_space<vmem>>
      %dma_start3A_55 = arith.constant 0 : i32
      %dma_start3A_56 = tpu.memref_slice %arg11[%add3A_50, %dma_start3A_55] : memref<40x128xi32, #tpu.memory_space<vmem>> -> memref<1x128xi32, #tpu.memory_space<vmem>>
      %dma_start3A_57 = tpu.memref_squeeze %dma_start3A_56 : memref<1x128xi32, #tpu.memory_space<vmem>> -> memref<128xi32, #tpu.memory_space<vmem>>
      %dma_start3A_58 = arith.constant 0 : i32
      %dma_start3A_59 = arith.constant 0 : i32
      %dma_start3A_60 = tpu.memref_slice %arg8[%dma_start3A_58, %dma_start3A_59] : memref<10240x16xf32, #tpu.memory_space<vmem_shared>> -> memref<10240x16xf32, #tpu.memory_space<vmem_shared>>
      tpu.enqueue_indirect_dma source(%dma_start3A_54 : memref<128x16xf32, #tpu.memory_space<vmem>>) target(%dma_start3A_60 : memref<10240x16xf32, #tpu.memory_space<vmem_shared>>) offsets(%dma_start3A_57 : memref<128xi32, #tpu.memory_space<vmem>>) semaphore(%arg14 : memref<!tpu.dma_semaphore, #tpu.memory_space<semaphore_mem>>) {add = true}
    }
    %scan3A_23 = arith.constant 40 : i32
    %dma_wait3A_24 = arith.constant 0 : i32
    %dma_wait3A_25 = tpu.memref_slice %arg2[%mul3A_4, %dma_wait3A_24] : memref<163840x16xf32, #tpu.memory_space<hbm>> -> memref<5120x16xf32, #tpu.memory_space<hbm>>
    %dma_wait3A_26 = arith.constant 0 : i32
    %dma_wait3A_27 = tpu.memref_slice %arg2[%mul3A_4, %dma_wait3A_26] : memref<163840x16xf32, #tpu.memory_space<hbm>> -> memref<5120x16xf32, #tpu.memory_space<hbm>>
    tpu.wait_dma2 semaphore(%arg14 : memref<!tpu.dma_semaphore, #tpu.memory_space<semaphore_mem>>) src(%dma_wait3A_27 : memref<5120x16xf32, #tpu.memory_space<hbm>>) dst(%arg13 : memref<5120x16xf32, #tpu.memory_space<vmem>>)
    "tpu.region"() ({
      %run_scoped3A = tpu.sem_alloc : memref<!tpu.dma_semaphore, #tpu.memory_space<semaphore_mem>>
      %dma_start3A_46 = arith.constant 0 : i32
      %dma_start3A_47 = tpu.memref_slice %arg3[%mul3A_4, %dma_start3A_46] : memref<163840x16xf32, #tpu.memory_space<hbm>> -> memref<5120x16xf32, #tpu.memory_space<hbm>>
      %dma_start3A_48 = arith.constant 0 : i32
      %dma_start3A_49 = tpu.memref_slice %arg3[%mul3A_4, %dma_start3A_48] : memref<163840x16xf32, #tpu.memory_space<hbm>> -> memref<5120x16xf32, #tpu.memory_space<hbm>>
      tpu.enqueue_dma source(%dma_start3A_49 : memref<5120x16xf32, #tpu.memory_space<hbm>>) target(%arg13 : memref<5120x16xf32, #tpu.memory_space<vmem>>) target_semaphore(%run_scoped3A : memref<!tpu.dma_semaphore, #tpu.memory_space<semaphore_mem>>)
      %dma_wait3A_50 = arith.constant 0 : i32
      %dma_wait3A_51 = tpu.memref_slice %arg3[%mul3A_4, %dma_wait3A_50] : memref<163840x16xf32, #tpu.memory_space<hbm>> -> memref<5120x16xf32, #tpu.memory_space<hbm>>
      %dma_wait3A_52 = arith.constant 0 : i32
      %dma_wait3A_53 = tpu.memref_slice %arg3[%mul3A_4, %dma_wait3A_52] : memref<163840x16xf32, #tpu.memory_space<hbm>> -> memref<5120x16xf32, #tpu.memory_space<hbm>>
      tpu.wait_dma2 semaphore(%run_scoped3A : memref<!tpu.dma_semaphore, #tpu.memory_space<semaphore_mem>>) src(%dma_wait3A_53 : memref<5120x16xf32, #tpu.memory_space<hbm>>) dst(%arg13 : memref<5120x16xf32, #tpu.memory_space<vmem>>)
      tpu.yield
    }) : () -> ()
    %scan3A_28 = arith.constant 0 : i32
    %scan3A_29 = arith.constant 40 : i32
    %scan3A_30 = arith.addi %scan3A_28, %scan3A_29 : i32
    %scan3A_31 = arith.constant 1 : i32
    scf.for %scan3A_46 = %scan3A_28 to %scan3A_30 step %scan3A_31  : i32 {
      %mul3A_47 = arith.constant 1 : i32
      %mul3A_48 = arith.muli %scan3A_46, %mul3A_47 : i32
      %add3A_49 = arith.constant 0 : i32
      %add3A_50 = arith.addi %add3A_49, %mul3A_48 : i32
      %mul3A_51 = arith.constant 128 : i32
      %mul3A_52 = arith.muli %add3A_50, %mul3A_51 : i32
      %dma_start3A_53 = arith.constant 0 : i32
      %dma_start3A_54 = tpu.memref_slice %arg13[%mul3A_52, %dma_start3A_53] : memref<5120x16xf32, #tpu.memory_space<vmem>> -> memref<128x16xf32, #tpu.memory_space<vmem>>
      %dma_start3A_55 = arith.constant 0 : i32
      %dma_start3A_56 = tpu.memref_slice %arg12[%add3A_50, %dma_start3A_55] : memref<40x128xi32, #tpu.memory_space<vmem>> -> memref<1x128xi32, #tpu.memory_space<vmem>>
      %dma_start3A_57 = tpu.memref_squeeze %dma_start3A_56 : memref<1x128xi32, #tpu.memory_space<vmem>> -> memref<128xi32, #tpu.memory_space<vmem>>
      %dma_start3A_58 = arith.constant 0 : i32
      %dma_start3A_59 = arith.constant 0 : i32
      %dma_start3A_60 = tpu.memref_slice %arg9[%dma_start3A_58, %dma_start3A_59] : memref<10240x16xf32, #tpu.memory_space<vmem_shared>> -> memref<10240x16xf32, #tpu.memory_space<vmem_shared>>
      tpu.enqueue_indirect_dma source(%dma_start3A_54 : memref<128x16xf32, #tpu.memory_space<vmem>>) target(%dma_start3A_60 : memref<10240x16xf32, #tpu.memory_space<vmem_shared>>) offsets(%dma_start3A_57 : memref<128xi32, #tpu.memory_space<vmem>>) semaphore(%arg14 : memref<!tpu.dma_semaphore, #tpu.memory_space<semaphore_mem>>) {add = true}
    }
    %scan3A_32 = arith.constant 40 : i32
    %dma_wait3A_33 = arith.constant 0 : i32
    %dma_wait3A_34 = tpu.memref_slice %arg3[%mul3A_4, %dma_wait3A_33] : memref<163840x16xf32, #tpu.memory_space<hbm>> -> memref<5120x16xf32, #tpu.memory_space<hbm>>
    %dma_wait3A_35 = arith.constant 0 : i32
    %dma_wait3A_36 = tpu.memref_slice %arg3[%mul3A_4, %dma_wait3A_35] : memref<163840x16xf32, #tpu.memory_space<hbm>> -> memref<5120x16xf32, #tpu.memory_space<hbm>>
    tpu.wait_dma2 semaphore(%arg14 : memref<!tpu.dma_semaphore, #tpu.memory_space<semaphore_mem>>) src(%dma_wait3A_36 : memref<5120x16xf32, #tpu.memory_space<hbm>>) dst(%arg13 : memref<5120x16xf32, #tpu.memory_space<vmem>>)
    %barrier3A_37 = arith.constant 0 : index
    tpu.barrier barrier_id(%barrier3A_37)
    %mul3A_38 = arith.constant 640 : i32
    %mul3A_39 = arith.muli %arg1, %mul3A_38 : i32
    %mul3A_40 = arith.constant 640 : i32
    %mul3A_41 = arith.muli %arg1, %mul3A_40 : i32
    "tpu.region"() ({
      %run_scoped3A = tpu.sem_alloc : memref<!tpu.dma_semaphore, #tpu.memory_space<semaphore_mem>>
      %dma_start3A_46 = arith.constant 0 : i32
      %dma_start3A_47 = tpu.memref_slice %arg6[%arg0, %mul3A_41, %dma_start3A_46] : memref<2x10240x16xf32, #tpu.memory_space<hbm>> -> memref<1x640x16xf32, #tpu.memory_space<hbm>>
      %dma_start3A_48 = tpu.memref_squeeze %dma_start3A_47 : memref<1x640x16xf32, #tpu.memory_space<hbm>> -> memref<640x16xf32, #tpu.memory_space<hbm>>
      %dma_start3A_49 = arith.constant 0 : i32
      %dma_start3A_50 = tpu.memref_slice %arg8[%mul3A_39, %dma_start3A_49] : memref<10240x16xf32, #tpu.memory_space<vmem_shared>> -> memref<640x16xf32, #tpu.memory_space<vmem_shared>>
      tpu.enqueue_dma source(%dma_start3A_50 : memref<640x16xf32, #tpu.memory_space<vmem_shared>>) target(%dma_start3A_48 : memref<640x16xf32, #tpu.memory_space<hbm>>) target_semaphore(%run_scoped3A : memref<!tpu.dma_semaphore, #tpu.memory_space<semaphore_mem>>)
      %dma_wait3A_51 = arith.constant 0 : i32
      %dma_wait3A_52 = tpu.memref_slice %arg6[%arg0, %mul3A_41, %dma_wait3A_51] : memref<2x10240x16xf32, #tpu.memory_space<hbm>> -> memref<1x640x16xf32, #tpu.memory_space<hbm>>
      %dma_wait3A_53 = tpu.memref_squeeze %dma_wait3A_52 : memref<1x640x16xf32, #tpu.memory_space<hbm>> -> memref<640x16xf32, #tpu.memory_space<hbm>>
      %dma_wait3A_54 = arith.constant 0 : i32
      %dma_wait3A_55 = tpu.memref_slice %arg8[%mul3A_39, %dma_wait3A_54] : memref<10240x16xf32, #tpu.memory_space<vmem_shared>> -> memref<640x16xf32, #tpu.memory_space<vmem_shared>>
      tpu.wait_dma2 semaphore(%run_scoped3A : memref<!tpu.dma_semaphore, #tpu.memory_space<semaphore_mem>>) src(%dma_wait3A_55 : memref<640x16xf32, #tpu.memory_space<vmem_shared>>) dst(%dma_wait3A_53 : memref<640x16xf32, #tpu.memory_space<hbm>>)
      tpu.yield
    }) : () -> ()
    %mul3A_42 = arith.constant 640 : i32
    %mul3A_43 = arith.muli %arg1, %mul3A_42 : i32
    %mul3A_44 = arith.constant 640 : i32
    %mul3A_45 = arith.muli %arg1, %mul3A_44 : i32
    "tpu.region"() ({
      %run_scoped3A = tpu.sem_alloc : memref<!tpu.dma_semaphore, #tpu.memory_space<semaphore_mem>>
      %dma_start3A_46 = arith.constant 0 : i32
      %dma_start3A_47 = tpu.memref_slice %arg7[%arg0, %mul3A_45, %dma_start3A_46] : memref<2x10240x16xf32, #tpu.memory_space<hbm>> -> memref<1x640x16xf32, #tpu.memory_space<hbm>>
      %dma_start3A_48 = tpu.memref_squeeze %dma_start3A_47 : memref<1x640x16xf32, #tpu.memory_space<hbm>> -> memref<640x16xf32, #tpu.memory_space<hbm>>
      %dma_start3A_49 = arith.constant 0 : i32
      %dma_start3A_50 = tpu.memref_slice %arg9[%mul3A_43, %dma_start3A_49] : memref<10240x16xf32, #tpu.memory_space<vmem_shared>> -> memref<640x16xf32, #tpu.memory_space<vmem_shared>>
      tpu.enqueue_dma source(%dma_start3A_50 : memref<640x16xf32, #tpu.memory_space<vmem_shared>>) target(%dma_start3A_48 : memref<640x16xf32, #tpu.memory_space<hbm>>) target_semaphore(%run_scoped3A : memref<!tpu.dma_semaphore, #tpu.memory_space<semaphore_mem>>)
      %dma_wait3A_51 = arith.constant 0 : i32
      %dma_wait3A_52 = tpu.memref_slice %arg7[%arg0, %mul3A_45, %dma_wait3A_51] : memref<2x10240x16xf32, #tpu.memory_space<hbm>> -> memref<1x640x16xf32, #tpu.memory_space<hbm>>
      %dma_wait3A_53 = tpu.memref_squeeze %dma_wait3A_52 : memref<1x640x16xf32, #tpu.memory_space<hbm>> -> memref<640x16xf32, #tpu.memory_space<hbm>>
      %dma_wait3A_54 = arith.constant 0 : i32
      %dma_wait3A_55 = tpu.memref_slice %arg9[%mul3A_43, %dma_wait3A_54] : memref<10240x16xf32, #tpu.memory_space<vmem_shared>> -> memref<640x16xf32, #tpu.memory_space<vmem_shared>>
      tpu.wait_dma2 semaphore(%run_scoped3A : memref<!tpu.dma_semaphore, #tpu.memory_space<semaphore_mem>>) src(%dma_wait3A_55 : memref<640x16xf32, #tpu.memory_space<vmem_shared>>) dst(%dma_wait3A_53 : memref<640x16xf32, #tpu.memory_space<hbm>>)
      tpu.yield
    }) : () -> ()
    return
  }
}

#map = affine_map<(d0, d1) -> (0, 0)>
#map1 = affine_map<(d0, d1) -> (0)>
module attributes {stable_mosaic.version = 14 : i64} {
  func.func @gather_kernel(%arg0: i32, %arg1: i32, %arg2: memref<10240x16xf32, #tpu.memory_space<hbm>>, %arg3: memref<10240x16xf32, #tpu.memory_space<hbm>>, %arg4: memref<10240xf32, #tpu.memory_space<hbm>>, %arg5: memref<10240xf32, #tpu.memory_space<hbm>>, %arg6: memref<1280x128xi32, #tpu.memory_space<hbm>>, %arg7: memref<1280x128xi32, #tpu.memory_space<hbm>>, %arg8: memref<1280x128xf32, #tpu.memory_space<hbm>>, %arg9: memref<163840x16xf32, #tpu.memory_space<hbm>>, %arg10: memref<163840x16xf32, #tpu.memory_space<hbm>>, %arg11: memref<1280x128xf32, #tpu.memory_space<hbm>>, %arg12: memref<1280x128xf32, #tpu.memory_space<hbm>>, %arg13: memref<10240xf32, #tpu.memory_space<vmem>>, %arg14: memref<10240xf32, #tpu.memory_space<vmem>>, %arg15: memref<40x128xi32, #tpu.memory_space<vmem>>, %arg16: memref<40x128xi32, #tpu.memory_space<vmem>>, %arg17: memref<40x128xf32, #tpu.memory_space<vmem>>, %arg18: memref<40x128xf32, #tpu.memory_space<vmem>>, %arg19: memref<5120x16xf32, #tpu.memory_space<vmem>>, %arg20: memref<!tpu.dma_semaphore, #tpu.memory_space<semaphore_mem>>, %arg21: memref<!tpu.dma_semaphore, #tpu.memory_space<semaphore_mem>>) attributes {dimension_semantics = [#tpu.dimension_semantics<core_parallel>, #tpu.dimension_semantics<subcore_parallel>], iteration_bounds = array<i64: 2, 16>, scalar_prefetch = 0 : i64, scratch_operands = 9 : i64, tpu.core_type = #tpu.core_type<sc_vector_subcore>, window_params = [{transform_indices = #map}, {transform_indices = #map}, {transform_indices = #map1}, {transform_indices = #map1}, {transform_indices = #map}, {transform_indices = #map}, {transform_indices = #map}, {transform_indices = #map}, {transform_indices = #map}, {transform_indices = #map}, {transform_indices = #map}]} {
    %mul3A = arith.constant 2 : i32
    %mul3A_0 = arith.muli %arg1, %mul3A : i32
    %add3A = arith.addi %mul3A_0, %arg0 : i32
    %mul3A_1 = arith.constant 40 : i32
    %mul3A_2 = arith.muli %add3A, %mul3A_1 : i32
    %mul3A_3 = arith.constant 128 : i32
    %mul3A_4 = arith.muli %mul3A_2, %mul3A_3 : i32
    tpu.enqueue_dma source(%arg5 : memref<10240xf32, #tpu.memory_space<hbm>>) target(%arg13 : memref<10240xf32, #tpu.memory_space<vmem>>) target_semaphore(%arg21 : memref<!tpu.dma_semaphore, #tpu.memory_space<semaphore_mem>>)
    tpu.enqueue_dma source(%arg4 : memref<10240xf32, #tpu.memory_space<hbm>>) target(%arg14 : memref<10240xf32, #tpu.memory_space<vmem>>) target_semaphore(%arg21 : memref<!tpu.dma_semaphore, #tpu.memory_space<semaphore_mem>>)
    "tpu.region"() ({
      %run_scoped3A = tpu.sem_alloc : memref<!tpu.dma_semaphore, #tpu.memory_space<semaphore_mem>>
      %dma_start3A = arith.constant 0 : i32
      %dma_start3A_26 = tpu.memref_slice %arg7[%mul3A_2, %dma_start3A] : memref<1280x128xi32, #tpu.memory_space<hbm>> -> memref<40x128xi32, #tpu.memory_space<hbm>>
      %dma_start3A_27 = arith.constant 0 : i32
      %dma_start3A_28 = tpu.memref_slice %arg7[%mul3A_2, %dma_start3A_27] : memref<1280x128xi32, #tpu.memory_space<hbm>> -> memref<40x128xi32, #tpu.memory_space<hbm>>
      tpu.enqueue_dma source(%dma_start3A_28 : memref<40x128xi32, #tpu.memory_space<hbm>>) target(%arg15 : memref<40x128xi32, #tpu.memory_space<vmem>>) target_semaphore(%run_scoped3A : memref<!tpu.dma_semaphore, #tpu.memory_space<semaphore_mem>>)
      %dma_wait3A_29 = arith.constant 0 : i32
      %dma_wait3A_30 = tpu.memref_slice %arg7[%mul3A_2, %dma_wait3A_29] : memref<1280x128xi32, #tpu.memory_space<hbm>> -> memref<40x128xi32, #tpu.memory_space<hbm>>
      %dma_wait3A_31 = arith.constant 0 : i32
      %dma_wait3A_32 = tpu.memref_slice %arg7[%mul3A_2, %dma_wait3A_31] : memref<1280x128xi32, #tpu.memory_space<hbm>> -> memref<40x128xi32, #tpu.memory_space<hbm>>
      tpu.wait_dma2 semaphore(%run_scoped3A : memref<!tpu.dma_semaphore, #tpu.memory_space<semaphore_mem>>) src(%dma_wait3A_32 : memref<40x128xi32, #tpu.memory_space<hbm>>) dst(%arg15 : memref<40x128xi32, #tpu.memory_space<vmem>>)
      tpu.yield
    }) : () -> ()
    "tpu.region"() ({
      %run_scoped3A = tpu.sem_alloc : memref<!tpu.dma_semaphore, #tpu.memory_space<semaphore_mem>>
      %dma_start3A = arith.constant 0 : i32
      %dma_start3A_26 = tpu.memref_slice %arg6[%mul3A_2, %dma_start3A] : memref<1280x128xi32, #tpu.memory_space<hbm>> -> memref<40x128xi32, #tpu.memory_space<hbm>>
      %dma_start3A_27 = arith.constant 0 : i32
      %dma_start3A_28 = tpu.memref_slice %arg6[%mul3A_2, %dma_start3A_27] : memref<1280x128xi32, #tpu.memory_space<hbm>> -> memref<40x128xi32, #tpu.memory_space<hbm>>
      tpu.enqueue_dma source(%dma_start3A_28 : memref<40x128xi32, #tpu.memory_space<hbm>>) target(%arg16 : memref<40x128xi32, #tpu.memory_space<vmem>>) target_semaphore(%run_scoped3A : memref<!tpu.dma_semaphore, #tpu.memory_space<semaphore_mem>>)
      %dma_wait3A_29 = arith.constant 0 : i32
      %dma_wait3A_30 = tpu.memref_slice %arg6[%mul3A_2, %dma_wait3A_29] : memref<1280x128xi32, #tpu.memory_space<hbm>> -> memref<40x128xi32, #tpu.memory_space<hbm>>
      %dma_wait3A_31 = arith.constant 0 : i32
      %dma_wait3A_32 = tpu.memref_slice %arg6[%mul3A_2, %dma_wait3A_31] : memref<1280x128xi32, #tpu.memory_space<hbm>> -> memref<40x128xi32, #tpu.memory_space<hbm>>
      tpu.wait_dma2 semaphore(%run_scoped3A : memref<!tpu.dma_semaphore, #tpu.memory_space<semaphore_mem>>) src(%dma_wait3A_32 : memref<40x128xi32, #tpu.memory_space<hbm>>) dst(%arg16 : memref<40x128xi32, #tpu.memory_space<vmem>>)
      tpu.yield
    }) : () -> ()
    "tpu.region"() ({
      %run_scoped3A = tpu.sem_alloc : memref<!tpu.dma_semaphore, #tpu.memory_space<semaphore_mem>>
      %dma_start3A = arith.constant 0 : i32
      %dma_start3A_26 = tpu.memref_slice %arg8[%mul3A_2, %dma_start3A] : memref<1280x128xf32, #tpu.memory_space<hbm>> -> memref<40x128xf32, #tpu.memory_space<hbm>>
      %dma_start3A_27 = arith.constant 0 : i32
      %dma_start3A_28 = tpu.memref_slice %arg8[%mul3A_2, %dma_start3A_27] : memref<1280x128xf32, #tpu.memory_space<hbm>> -> memref<40x128xf32, #tpu.memory_space<hbm>>
      tpu.enqueue_dma source(%dma_start3A_28 : memref<40x128xf32, #tpu.memory_space<hbm>>) target(%arg17 : memref<40x128xf32, #tpu.memory_space<vmem>>) target_semaphore(%run_scoped3A : memref<!tpu.dma_semaphore, #tpu.memory_space<semaphore_mem>>)
      %dma_wait3A_29 = arith.constant 0 : i32
      %dma_wait3A_30 = tpu.memref_slice %arg8[%mul3A_2, %dma_wait3A_29] : memref<1280x128xf32, #tpu.memory_space<hbm>> -> memref<40x128xf32, #tpu.memory_space<hbm>>
      %dma_wait3A_31 = arith.constant 0 : i32
      %dma_wait3A_32 = tpu.memref_slice %arg8[%mul3A_2, %dma_wait3A_31] : memref<1280x128xf32, #tpu.memory_space<hbm>> -> memref<40x128xf32, #tpu.memory_space<hbm>>
      tpu.wait_dma2 semaphore(%run_scoped3A : memref<!tpu.dma_semaphore, #tpu.memory_space<semaphore_mem>>) src(%dma_wait3A_32 : memref<40x128xf32, #tpu.memory_space<hbm>>) dst(%arg17 : memref<40x128xf32, #tpu.memory_space<vmem>>)
      tpu.yield
    }) : () -> ()
    "tpu.region"() ({
      %run_scoped3A = tpu.sem_alloc : memref<!tpu.dma_semaphore, #tpu.memory_space<semaphore_mem>>
      %dma_start3A = arith.constant 0 : i32
      %dma_start3A_26 = tpu.memref_slice %arg8[%mul3A_2, %dma_start3A] : memref<1280x128xf32, #tpu.memory_space<hbm>> -> memref<40x128xf32, #tpu.memory_space<hbm>>
      %dma_start3A_27 = arith.constant 0 : i32
      %dma_start3A_28 = tpu.memref_slice %arg8[%mul3A_2, %dma_start3A_27] : memref<1280x128xf32, #tpu.memory_space<hbm>> -> memref<40x128xf32, #tpu.memory_space<hbm>>
      tpu.enqueue_dma source(%dma_start3A_28 : memref<40x128xf32, #tpu.memory_space<hbm>>) target(%arg18 : memref<40x128xf32, #tpu.memory_space<vmem>>) target_semaphore(%run_scoped3A : memref<!tpu.dma_semaphore, #tpu.memory_space<semaphore_mem>>)
      %dma_wait3A_29 = arith.constant 0 : i32
      %dma_wait3A_30 = tpu.memref_slice %arg8[%mul3A_2, %dma_wait3A_29] : memref<1280x128xf32, #tpu.memory_space<hbm>> -> memref<40x128xf32, #tpu.memory_space<hbm>>
      %dma_wait3A_31 = arith.constant 0 : i32
      %dma_wait3A_32 = tpu.memref_slice %arg8[%mul3A_2, %dma_wait3A_31] : memref<1280x128xf32, #tpu.memory_space<hbm>> -> memref<40x128xf32, #tpu.memory_space<hbm>>
      tpu.wait_dma2 semaphore(%run_scoped3A : memref<!tpu.dma_semaphore, #tpu.memory_space<semaphore_mem>>) src(%dma_wait3A_32 : memref<40x128xf32, #tpu.memory_space<hbm>>) dst(%arg18 : memref<40x128xf32, #tpu.memory_space<vmem>>)
      tpu.yield
    }) : () -> ()
    %scan3A = arith.constant 0 : i32
    %scan3A_5 = arith.constant 40 : i32
    %scan3A_6 = arith.addi %scan3A, %scan3A_5 : i32
    %scan3A_7 = arith.constant 1 : i32
    scf.for %scan3A_26 = %scan3A to %scan3A_6 step %scan3A_7  : i32 {
      %mul3A_27 = arith.constant 1 : i32
      %mul3A_28 = arith.muli %scan3A_26, %mul3A_27 : i32
      %add3A_29 = arith.constant 0 : i32
      %add3A_30 = arith.addi %add3A_29, %mul3A_28 : i32
      %mul3A_31 = arith.constant 128 : i32
      %mul3A_32 = arith.muli %add3A_30, %mul3A_31 : i32
      %dma_start3A = arith.constant 0 : i32
      %dma_start3A_33 = tpu.memref_slice %arg19[%mul3A_32, %dma_start3A] : memref<5120x16xf32, #tpu.memory_space<vmem>> -> memref<128x16xf32, #tpu.memory_space<vmem>>
      %dma_start3A_34 = arith.constant 0 : i32
      %dma_start3A_35 = tpu.memref_slice %arg16[%add3A_30, %dma_start3A_34] : memref<40x128xi32, #tpu.memory_space<vmem>> -> memref<1x128xi32, #tpu.memory_space<vmem>>
      %dma_start3A_36 = tpu.memref_squeeze %dma_start3A_35 : memref<1x128xi32, #tpu.memory_space<vmem>> -> memref<128xi32, #tpu.memory_space<vmem>>
      %dma_start3A_37 = arith.constant 0 : i32
      %dma_start3A_38 = arith.constant 0 : i32
      %dma_start3A_39 = tpu.memref_slice %arg2[%dma_start3A_37, %dma_start3A_38] : memref<10240x16xf32, #tpu.memory_space<hbm>> -> memref<10240x16xf32, #tpu.memory_space<hbm>>
      tpu.enqueue_indirect_dma source(%dma_start3A_39 : memref<10240x16xf32, #tpu.memory_space<hbm>>) target(%dma_start3A_33 : memref<128x16xf32, #tpu.memory_space<vmem>>) offsets(%dma_start3A_36 : memref<128xi32, #tpu.memory_space<vmem>>) semaphore(%arg20 : memref<!tpu.dma_semaphore, #tpu.memory_space<semaphore_mem>>)
    }
    %scan3A_8 = arith.constant 40 : i32
    tpu.wait_dma2 semaphore(%arg21 : memref<!tpu.dma_semaphore, #tpu.memory_space<semaphore_mem>>) src(%arg5 : memref<10240xf32, #tpu.memory_space<hbm>>) dst(%arg13 : memref<10240xf32, #tpu.memory_space<vmem>>)
    tpu.wait_dma2 semaphore(%arg21 : memref<!tpu.dma_semaphore, #tpu.memory_space<semaphore_mem>>) src(%arg4 : memref<10240xf32, #tpu.memory_space<hbm>>) dst(%arg14 : memref<10240xf32, #tpu.memory_space<vmem>>)
    %scan3A_9 = arith.constant 0 : i32
    %scan3A_10 = arith.constant 40 : i32
    %scan3A_11 = arith.addi %scan3A_9, %scan3A_10 : i32
    %scan3A_12 = arith.constant 1 : i32
    scf.for %scan3A_26 = %scan3A_9 to %scan3A_11 step %scan3A_12  : i32 {
      %mul3A_27 = arith.constant 1 : i32
      %mul3A_28 = arith.muli %scan3A_26, %mul3A_27 : i32
      %add3A_29 = arith.constant 0 : i32
      %add3A_30 = arith.addi %add3A_29, %mul3A_28 : i32
      %scan3A_31 = arith.constant 0 : i32
      %scan3A_32 = arith.constant 8 : i32
      %scan3A_33 = arith.addi %scan3A_31, %scan3A_32 : i32
      %scan3A_34 = arith.constant 1 : i32
      scf.for %scan3A_36 = %scan3A_31 to %scan3A_33 step %scan3A_34  : i32 {
        %mul3A_37 = arith.constant 1 : i32
        %mul3A_38 = arith.muli %scan3A_36, %mul3A_37 : i32
        %add3A_39 = arith.constant 0 : i32
        %add3A_40 = arith.addi %add3A_39, %mul3A_38 : i32
        %mul3A_41 = arith.constant 16 : i32
        %mul3A_42 = arith.muli %add3A_40, %mul3A_41 : i32
        %get3A = arith.index_cast %add3A_30 : i32 to index
        %get3A_43 = arith.index_cast %mul3A_42 : i32 to index
        %get3A_44 = tpu.vector_load %arg15[%get3A, %get3A_43] {strides = array<i32>} : memref<40x128xi32, #tpu.memory_space<vmem>>, vector<16xi32>,
        %gather3A = tpu.vector_load_idx %arg13[%get3A_44] : memref<10240xf32, #tpu.memory_space<vmem>>[vector<16xi32>], vector<16xf32>,
        %get3A_45 = arith.index_cast %add3A_30 : i32 to index
        %get3A_46 = arith.index_cast %mul3A_42 : i32 to index
        %get3A_47 = tpu.vector_load %arg17[%get3A_45, %get3A_46] {strides = array<i32>} : memref<40x128xf32, #tpu.memory_space<vmem>>, vector<16xf32>,
        %sub3A = arith.subf %gather3A, %get3A_47 : vector<16xf32>
        %swap3A = arith.index_cast %add3A_30 : i32 to index
        %swap3A_48 = arith.index_cast %mul3A_42 : i32 to index
        %swap3A_49 = tpu.vector_load %arg17[%swap3A, %swap3A_48] {strides = array<i32>} : memref<40x128xf32, #tpu.memory_space<vmem>>, vector<16xf32>,
        tpu.vector_store %arg17[%swap3A, %swap3A_48], %sub3A {strides = array<i32>} : memref<40x128xf32, #tpu.memory_space<vmem>>, vector<16xf32>,
        %get3A_50 = arith.index_cast %add3A_30 : i32 to index
        %get3A_51 = arith.index_cast %mul3A_42 : i32 to index
        %get3A_52 = tpu.vector_load %arg16[%get3A_50, %get3A_51] {strides = array<i32>} : memref<40x128xi32, #tpu.memory_space<vmem>>, vector<16xi32>,
        %gather3A_53 = tpu.vector_load_idx %arg14[%get3A_52] : memref<10240xf32, #tpu.memory_space<vmem>>[vector<16xi32>], vector<16xf32>,
        %get3A_54 = arith.index_cast %add3A_30 : i32 to index
        %get3A_55 = arith.index_cast %mul3A_42 : i32 to index
        %get3A_56 = tpu.vector_load %arg18[%get3A_54, %get3A_55] {strides = array<i32>} : memref<40x128xf32, #tpu.memory_space<vmem>>, vector<16xf32>,
        %sub3A_57 = arith.subf %gather3A_53, %get3A_56 : vector<16xf32>
        %swap3A_58 = arith.index_cast %add3A_30 : i32 to index
        %swap3A_59 = arith.index_cast %mul3A_42 : i32 to index
        %swap3A_60 = tpu.vector_load %arg18[%swap3A_58, %swap3A_59] {strides = array<i32>} : memref<40x128xf32, #tpu.memory_space<vmem>>, vector<16xf32>,
        tpu.vector_store %arg18[%swap3A_58, %swap3A_59], %sub3A_57 {strides = array<i32>} : memref<40x128xf32, #tpu.memory_space<vmem>>, vector<16xf32>,
      }
      %scan3A_35 = arith.constant 8 : i32
    }
    %scan3A_13 = arith.constant 40 : i32
    "tpu.region"() ({
      %run_scoped3A = tpu.sem_alloc : memref<!tpu.dma_semaphore, #tpu.memory_space<semaphore_mem>>
      %dma_start3A = arith.constant 0 : i32
      %dma_start3A_26 = tpu.memref_slice %arg11[%mul3A_2, %dma_start3A] : memref<1280x128xf32, #tpu.memory_space<hbm>> -> memref<40x128xf32, #tpu.memory_space<hbm>>
      %dma_start3A_27 = arith.constant 0 : i32
      %dma_start3A_28 = tpu.memref_slice %arg11[%mul3A_2, %dma_start3A_27] : memref<1280x128xf32, #tpu.memory_space<hbm>> -> memref<40x128xf32, #tpu.memory_space<hbm>>
      tpu.enqueue_dma source(%arg17 : memref<40x128xf32, #tpu.memory_space<vmem>>) target(%dma_start3A_28 : memref<40x128xf32, #tpu.memory_space<hbm>>) target_semaphore(%run_scoped3A : memref<!tpu.dma_semaphore, #tpu.memory_space<semaphore_mem>>)
      %dma_wait3A_29 = arith.constant 0 : i32
      %dma_wait3A_30 = tpu.memref_slice %arg11[%mul3A_2, %dma_wait3A_29] : memref<1280x128xf32, #tpu.memory_space<hbm>> -> memref<40x128xf32, #tpu.memory_space<hbm>>
      %dma_wait3A_31 = arith.constant 0 : i32
      %dma_wait3A_32 = tpu.memref_slice %arg11[%mul3A_2, %dma_wait3A_31] : memref<1280x128xf32, #tpu.memory_space<hbm>> -> memref<40x128xf32, #tpu.memory_space<hbm>>
      tpu.wait_dma2 semaphore(%run_scoped3A : memref<!tpu.dma_semaphore, #tpu.memory_space<semaphore_mem>>) src(%arg17 : memref<40x128xf32, #tpu.memory_space<vmem>>) dst(%dma_wait3A_32 : memref<40x128xf32, #tpu.memory_space<hbm>>)
      tpu.yield
    }) : () -> ()
    "tpu.region"() ({
      %run_scoped3A = tpu.sem_alloc : memref<!tpu.dma_semaphore, #tpu.memory_space<semaphore_mem>>
      %dma_start3A = arith.constant 0 : i32
      %dma_start3A_26 = tpu.memref_slice %arg12[%mul3A_2, %dma_start3A] : memref<1280x128xf32, #tpu.memory_space<hbm>> -> memref<40x128xf32, #tpu.memory_space<hbm>>
      %dma_start3A_27 = arith.constant 0 : i32
      %dma_start3A_28 = tpu.memref_slice %arg12[%mul3A_2, %dma_start3A_27] : memref<1280x128xf32, #tpu.memory_space<hbm>> -> memref<40x128xf32, #tpu.memory_space<hbm>>
      tpu.enqueue_dma source(%arg18 : memref<40x128xf32, #tpu.memory_space<vmem>>) target(%dma_start3A_28 : memref<40x128xf32, #tpu.memory_space<hbm>>) target_semaphore(%run_scoped3A : memref<!tpu.dma_semaphore, #tpu.memory_space<semaphore_mem>>)
      %dma_wait3A_29 = arith.constant 0 : i32
      %dma_wait3A_30 = tpu.memref_slice %arg12[%mul3A_2, %dma_wait3A_29] : memref<1280x128xf32, #tpu.memory_space<hbm>> -> memref<40x128xf32, #tpu.memory_space<hbm>>
      %dma_wait3A_31 = arith.constant 0 : i32
      %dma_wait3A_32 = tpu.memref_slice %arg12[%mul3A_2, %dma_wait3A_31] : memref<1280x128xf32, #tpu.memory_space<hbm>> -> memref<40x128xf32, #tpu.memory_space<hbm>>
      tpu.wait_dma2 semaphore(%run_scoped3A : memref<!tpu.dma_semaphore, #tpu.memory_space<semaphore_mem>>) src(%arg18 : memref<40x128xf32, #tpu.memory_space<vmem>>) dst(%dma_wait3A_32 : memref<40x128xf32, #tpu.memory_space<hbm>>)
      tpu.yield
    }) : () -> ()
    %dma_wait3A = arith.constant 0 : i32
    %dma_wait3A_14 = tpu.memref_slice %arg9[%mul3A_4, %dma_wait3A] : memref<163840x16xf32, #tpu.memory_space<hbm>> -> memref<5120x16xf32, #tpu.memory_space<hbm>>
    %dma_wait3A_15 = arith.constant 0 : i32
    %dma_wait3A_16 = tpu.memref_slice %arg9[%mul3A_4, %dma_wait3A_15] : memref<163840x16xf32, #tpu.memory_space<hbm>> -> memref<5120x16xf32, #tpu.memory_space<hbm>>
    tpu.wait_dma2 semaphore(%arg20 : memref<!tpu.dma_semaphore, #tpu.memory_space<semaphore_mem>>) src(%dma_wait3A_16 : memref<5120x16xf32, #tpu.memory_space<hbm>>) dst(%arg19 : memref<5120x16xf32, #tpu.memory_space<vmem>>)
    "tpu.region"() ({
      %run_scoped3A = tpu.sem_alloc : memref<!tpu.dma_semaphore, #tpu.memory_space<semaphore_mem>>
      %dma_start3A = arith.constant 0 : i32
      %dma_start3A_26 = tpu.memref_slice %arg9[%mul3A_4, %dma_start3A] : memref<163840x16xf32, #tpu.memory_space<hbm>> -> memref<5120x16xf32, #tpu.memory_space<hbm>>
      %dma_start3A_27 = arith.constant 0 : i32
      %dma_start3A_28 = tpu.memref_slice %arg9[%mul3A_4, %dma_start3A_27] : memref<163840x16xf32, #tpu.memory_space<hbm>> -> memref<5120x16xf32, #tpu.memory_space<hbm>>
      tpu.enqueue_dma source(%arg19 : memref<5120x16xf32, #tpu.memory_space<vmem>>) target(%dma_start3A_28 : memref<5120x16xf32, #tpu.memory_space<hbm>>) target_semaphore(%run_scoped3A : memref<!tpu.dma_semaphore, #tpu.memory_space<semaphore_mem>>)
      %dma_wait3A_29 = arith.constant 0 : i32
      %dma_wait3A_30 = tpu.memref_slice %arg9[%mul3A_4, %dma_wait3A_29] : memref<163840x16xf32, #tpu.memory_space<hbm>> -> memref<5120x16xf32, #tpu.memory_space<hbm>>
      %dma_wait3A_31 = arith.constant 0 : i32
      %dma_wait3A_32 = tpu.memref_slice %arg9[%mul3A_4, %dma_wait3A_31] : memref<163840x16xf32, #tpu.memory_space<hbm>> -> memref<5120x16xf32, #tpu.memory_space<hbm>>
      tpu.wait_dma2 semaphore(%run_scoped3A : memref<!tpu.dma_semaphore, #tpu.memory_space<semaphore_mem>>) src(%arg19 : memref<5120x16xf32, #tpu.memory_space<vmem>>) dst(%dma_wait3A_32 : memref<5120x16xf32, #tpu.memory_space<hbm>>)
      tpu.yield
    }) : () -> ()
    %scan3A_17 = arith.constant 0 : i32
    %scan3A_18 = arith.constant 40 : i32
    %scan3A_19 = arith.addi %scan3A_17, %scan3A_18 : i32
    %scan3A_20 = arith.constant 1 : i32
    scf.for %scan3A_26 = %scan3A_17 to %scan3A_19 step %scan3A_20  : i32 {
      %mul3A_27 = arith.constant 1 : i32
      %mul3A_28 = arith.muli %scan3A_26, %mul3A_27 : i32
      %add3A_29 = arith.constant 0 : i32
      %add3A_30 = arith.addi %add3A_29, %mul3A_28 : i32
      %mul3A_31 = arith.constant 128 : i32
      %mul3A_32 = arith.muli %add3A_30, %mul3A_31 : i32
      %dma_start3A = arith.constant 0 : i32
      %dma_start3A_33 = tpu.memref_slice %arg19[%mul3A_32, %dma_start3A] : memref<5120x16xf32, #tpu.memory_space<vmem>> -> memref<128x16xf32, #tpu.memory_space<vmem>>
      %dma_start3A_34 = arith.constant 0 : i32
      %dma_start3A_35 = tpu.memref_slice %arg15[%add3A_30, %dma_start3A_34] : memref<40x128xi32, #tpu.memory_space<vmem>> -> memref<1x128xi32, #tpu.memory_space<vmem>>
      %dma_start3A_36 = tpu.memref_squeeze %dma_start3A_35 : memref<1x128xi32, #tpu.memory_space<vmem>> -> memref<128xi32, #tpu.memory_space<vmem>>
      %dma_start3A_37 = arith.constant 0 : i32
      %dma_start3A_38 = arith.constant 0 : i32
      %dma_start3A_39 = tpu.memref_slice %arg3[%dma_start3A_37, %dma_start3A_38] : memref<10240x16xf32, #tpu.memory_space<hbm>> -> memref<10240x16xf32, #tpu.memory_space<hbm>>
      tpu.enqueue_indirect_dma source(%dma_start3A_39 : memref<10240x16xf32, #tpu.memory_space<hbm>>) target(%dma_start3A_33 : memref<128x16xf32, #tpu.memory_space<vmem>>) offsets(%dma_start3A_36 : memref<128xi32, #tpu.memory_space<vmem>>) semaphore(%arg20 : memref<!tpu.dma_semaphore, #tpu.memory_space<semaphore_mem>>)
    }
    %scan3A_21 = arith.constant 40 : i32
    %dma_wait3A_22 = arith.constant 0 : i32
    %dma_wait3A_23 = tpu.memref_slice %arg10[%mul3A_4, %dma_wait3A_22] : memref<163840x16xf32, #tpu.memory_space<hbm>> -> memref<5120x16xf32, #tpu.memory_space<hbm>>
    %dma_wait3A_24 = arith.constant 0 : i32
    %dma_wait3A_25 = tpu.memref_slice %arg10[%mul3A_4, %dma_wait3A_24] : memref<163840x16xf32, #tpu.memory_space<hbm>> -> memref<5120x16xf32, #tpu.memory_space<hbm>>
    tpu.wait_dma2 semaphore(%arg20 : memref<!tpu.dma_semaphore, #tpu.memory_space<semaphore_mem>>) src(%dma_wait3A_25 : memref<5120x16xf32, #tpu.memory_space<hbm>>) dst(%arg19 : memref<5120x16xf32, #tpu.memory_space<vmem>>)
    "tpu.region"() ({
      %run_scoped3A = tpu.sem_alloc : memref<!tpu.dma_semaphore, #tpu.memory_space<semaphore_mem>>
      %dma_start3A = arith.constant 0 : i32
      %dma_start3A_26 = tpu.memref_slice %arg10[%mul3A_4, %dma_start3A] : memref<163840x16xf32, #tpu.memory_space<hbm>> -> memref<5120x16xf32, #tpu.memory_space<hbm>>
      %dma_start3A_27 = arith.constant 0 : i32
      %dma_start3A_28 = tpu.memref_slice %arg10[%mul3A_4, %dma_start3A_27] : memref<163840x16xf32, #tpu.memory_space<hbm>> -> memref<5120x16xf32, #tpu.memory_space<hbm>>
      tpu.enqueue_dma source(%arg19 : memref<5120x16xf32, #tpu.memory_space<vmem>>) target(%dma_start3A_28 : memref<5120x16xf32, #tpu.memory_space<hbm>>) target_semaphore(%run_scoped3A : memref<!tpu.dma_semaphore, #tpu.memory_space<semaphore_mem>>)
      %dma_wait3A_29 = arith.constant 0 : i32
      %dma_wait3A_30 = tpu.memref_slice %arg10[%mul3A_4, %dma_wait3A_29] : memref<163840x16xf32, #tpu.memory_space<hbm>> -> memref<5120x16xf32, #tpu.memory_space<hbm>>
      %dma_wait3A_31 = arith.constant 0 : i32
      %dma_wait3A_32 = tpu.memref_slice %arg10[%mul3A_4, %dma_wait3A_31] : memref<163840x16xf32, #tpu.memory_space<hbm>> -> memref<5120x16xf32, #tpu.memory_space<hbm>>
      tpu.wait_dma2 semaphore(%run_scoped3A : memref<!tpu.dma_semaphore, #tpu.memory_space<semaphore_mem>>) src(%arg19 : memref<5120x16xf32, #tpu.memory_space<vmem>>) dst(%dma_wait3A_32 : memref<5120x16xf32, #tpu.memory_space<hbm>>)
      tpu.yield
    }) : () -> ()
    return
  }
}

module attributes {stable_mosaic.version = 14 : i64} {
  func.func @body(%arg0: i32, %arg1: memref<4096x1xf32, #tpu.memory_space<vmem>>, %arg2: memref<4096x1xf32, #tpu.memory_space<vmem>>, %arg3: memref<4096x16xf32, #tpu.memory_space<vmem>>, %arg4: memref<4096x16xf32, #tpu.memory_space<vmem>>, %arg5: memref<8x128xf32, #tpu.memory_space<vmem>>, %arg6: memref<4x128xf32, #tpu.memory_space<vmem>>, %arg7: memref<128x512xf32, #tpu.memory_space<vmem>>, %arg8: memref<1x512xf32, #tpu.memory_space<vmem>>, %arg9: memref<256x16xf32, #tpu.memory_space<vmem>>, %arg10: memref<16x256xf32, #tpu.memory_space<vmem>>, %arg11: memref<4096x16xf32, #tpu.memory_space<vmem>>, %arg12: memref<4096x16xf32, #tpu.memory_space<vmem>>) attributes {dimension_semantics = [#tpu.dimension_semantics<parallel>], iteration_bounds = array<i64: 40>, scalar_prefetch = 0 : i64, scratch_operands = 0 : i64, tpu.core_type = #tpu.core_type<tc>, window_params = [{transform_indices = @transform_0, window_bounds = array<i64: 4096, 1>}, {transform_indices = @transform_1, window_bounds = array<i64: 4096, 1>}, {transform_indices = @transform_2, window_bounds = array<i64: 4096, 16>}, {transform_indices = @transform_3, window_bounds = array<i64: 4096, 16>}, {pipeline_mode = #tpu.pipeline_mode<synchronous>, transform_indices = @transform_4, window_bounds = array<i64: 8, 128>}, {pipeline_mode = #tpu.pipeline_mode<synchronous>, transform_indices = @transform_5, window_bounds = array<i64: 4, 128>}, {pipeline_mode = #tpu.pipeline_mode<synchronous>, transform_indices = @transform_6, window_bounds = array<i64: 128, 512>}, {pipeline_mode = #tpu.pipeline_mode<synchronous>, transform_indices = @transform_7, window_bounds = array<i64: 1, 512>}, {pipeline_mode = #tpu.pipeline_mode<synchronous>, transform_indices = @transform_8, window_bounds = array<i64: 256, 16>}, {pipeline_mode = #tpu.pipeline_mode<synchronous>, transform_indices = @transform_9, window_bounds = array<i64: 16, 256>}, {transform_indices = @transform_10, window_bounds = array<i64: 4096, 16>}, {transform_indices = @transform_11, window_bounds = array<i64: 4096, 16>}]} {
    %get3A = arith.constant 0 : index
    %get3A_0 = arith.constant 0 : index
    %get3A_1 = vector.load %arg1[%get3A, %get3A_0] : memref<4096x1xf32, #tpu.memory_space<vmem>>, vector<4096x1xf32>
    %get3A_2 = arith.constant 0 : index
    %get3A_3 = arith.constant 0 : index
    %get3A_4 = vector.load %arg2[%get3A_2, %get3A_3] : memref<4096x1xf32, #tpu.memory_space<vmem>>, vector<4096x1xf32>
    %get3A_5 = arith.constant 3 : index
    %get3A_6 = arith.constant 0 : index
    %get3A_7 = vector.load %arg5[%get3A_5, %get3A_6] : memref<8x128xf32, #tpu.memory_space<vmem>>, vector<1x1xf32>
    %get3A_8 = arith.constant 3 : index
    %get3A_9 = arith.constant 1 : index
    %get3A_10 = vector.load %arg5[%get3A_8, %get3A_9] : memref<8x128xf32, #tpu.memory_space<vmem>>, vector<1x1xf32>
    %get3A_11 = arith.constant 3 : index
    %get3A_12 = arith.constant 2 : index
    %get3A_13 = vector.load %arg5[%get3A_11, %get3A_12] : memref<8x128xf32, #tpu.memory_space<vmem>>, vector<1x1xf32>
    %get3A_14 = arith.constant 3 : index
    %get3A_15 = arith.constant 3 : index
    %get3A_16 = vector.load %arg5[%get3A_14, %get3A_15] : memref<8x128xf32, #tpu.memory_space<vmem>>, vector<1x1xf32>
    %get3A_17 = arith.constant 3 : index
    %get3A_18 = arith.constant 4 : index
    %get3A_19 = vector.load %arg5[%get3A_17, %get3A_18] : memref<8x128xf32, #tpu.memory_space<vmem>>, vector<1x1xf32>
    %get3A_20 = arith.constant 3 : index
    %get3A_21 = arith.constant 5 : index
    %get3A_22 = vector.load %arg5[%get3A_20, %get3A_21] : memref<8x128xf32, #tpu.memory_space<vmem>>, vector<1x1xf32>
    %mul3A = arith.mulf %get3A_1, %get3A_1 : vector<4096x1xf32>
    %mul3A_23 = vector.broadcast %get3A_7 : vector<1x1xf32> to vector<4096x1xf32>
    %mul3A_24 = arith.mulf %mul3A, %mul3A_23 : vector<4096x1xf32>
    %mul3A_25 = vector.broadcast %get3A_10 : vector<1x1xf32> to vector<4096x1xf32>
    %mul3A_26 = arith.mulf %get3A_1, %mul3A_25 : vector<4096x1xf32>
    %add3A = arith.addf %mul3A_24, %mul3A_26 : vector<4096x1xf32>
    %add3A_27 = vector.broadcast %get3A_13 : vector<1x1xf32> to vector<4096x1xf32>
    %add3A_28 = arith.addf %add3A, %add3A_27 : vector<4096x1xf32>
    %rsqrt3A = math.rsqrt %add3A_28 : vector<4096x1xf32>
    %mul3A_29 = arith.mulf %get3A_4, %get3A_4 : vector<4096x1xf32>
    %mul3A_30 = vector.broadcast %get3A_16 : vector<1x1xf32> to vector<4096x1xf32>
    %mul3A_31 = arith.mulf %mul3A_29, %mul3A_30 : vector<4096x1xf32>
    %mul3A_32 = vector.broadcast %get3A_19 : vector<1x1xf32> to vector<4096x1xf32>
    %mul3A_33 = arith.mulf %get3A_4, %mul3A_32 : vector<4096x1xf32>
    %add3A_34 = arith.addf %mul3A_31, %mul3A_33 : vector<4096x1xf32>
    %add3A_35 = vector.broadcast %get3A_22 : vector<1x1xf32> to vector<4096x1xf32>
    %add3A_36 = arith.addf %add3A_34, %add3A_35 : vector<4096x1xf32>
    %rsqrt3A_37 = math.rsqrt %add3A_36 : vector<4096x1xf32>
    %iota3A = tpu.iota {dimensions = array<i32: 1>} : vector<4096x128xi32>
    %lt3A = arith.constant 64 : i32
    %lt3A_38 = vector.broadcast %lt3A : i32 to vector<4096x128xi32>
    %lt3A_39 = arith.cmpi slt, %iota3A, %lt3A_38 : vector<4096x128xi32>
    %mul3A_40 = arith.mulf %get3A_1, %rsqrt3A : vector<4096x1xf32>
    %mul3A_41 = arith.mulf %get3A_4, %rsqrt3A_37 : vector<4096x1xf32>
    %broadcast_in_dim3A = vector.shape_cast %mul3A_40 : vector<4096x1xf32> to vector<4096x1xf32>
    %broadcast_in_dim3A_42 = vector.broadcast %broadcast_in_dim3A : vector<4096x1xf32> to vector<4096x128xf32>
    %broadcast_in_dim3A_43 = vector.shape_cast %mul3A_41 : vector<4096x1xf32> to vector<4096x1xf32>
    %broadcast_in_dim3A_44 = vector.broadcast %broadcast_in_dim3A_43 : vector<4096x1xf32> to vector<4096x128xf32>
    %select_n3A = arith.select %lt3A_39, %broadcast_in_dim3A_42, %broadcast_in_dim3A_44 : vector<4096x128xi1>, vector<4096x128xf32>
    %broadcast_in_dim3A_45 = vector.shape_cast %rsqrt3A : vector<4096x1xf32> to vector<4096x1xf32>
    %broadcast_in_dim3A_46 = vector.broadcast %broadcast_in_dim3A_45 : vector<4096x1xf32> to vector<4096x128xf32>
    %broadcast_in_dim3A_47 = vector.shape_cast %rsqrt3A_37 : vector<4096x1xf32> to vector<4096x1xf32>
    %broadcast_in_dim3A_48 = vector.broadcast %broadcast_in_dim3A_47 : vector<4096x1xf32> to vector<4096x128xf32>
    %select_n3A_49 = arith.select %lt3A_39, %broadcast_in_dim3A_46, %broadcast_in_dim3A_48 : vector<4096x128xi1>, vector<4096x128xf32>
    %get3A_50 = arith.constant 0 : index
    %get3A_51 = arith.constant 0 : index
    %get3A_52 = vector.load %arg5[%get3A_50, %get3A_51] : memref<8x128xf32, #tpu.memory_space<vmem>>, vector<1x128xf32>
    %get3A_53 = arith.constant 1 : index
    %get3A_54 = arith.constant 0 : index
    %get3A_55 = vector.load %arg5[%get3A_53, %get3A_54] : memref<8x128xf32, #tpu.memory_space<vmem>>, vector<1x128xf32>
    %get3A_56 = arith.constant 2 : index
    %get3A_57 = arith.constant 0 : index
    %get3A_58 = vector.load %arg5[%get3A_56, %get3A_57] : memref<8x128xf32, #tpu.memory_space<vmem>>, vector<1x128xf32>
    %mul3A_59 = vector.broadcast %get3A_52 : vector<1x128xf32> to vector<4096x128xf32>
    %mul3A_60 = arith.mulf %select_n3A, %mul3A_59 : vector<4096x128xf32>
    %mul3A_61 = vector.broadcast %get3A_55 : vector<1x128xf32> to vector<4096x128xf32>
    %mul3A_62 = arith.mulf %select_n3A_49, %mul3A_61 : vector<4096x128xf32>
    %add3A_63 = arith.addf %mul3A_60, %mul3A_62 : vector<4096x128xf32>
    %add3A_64 = vector.broadcast %get3A_58 : vector<1x128xf32> to vector<4096x128xf32>
    %add3A_65 = arith.addf %add3A_63, %add3A_64 : vector<4096x128xf32>
    %mul3A_66 = arith.constant 0.318309873 : f32
    %mul3A_67 = vector.broadcast %mul3A_66 : f32 to vector<4096x128xf32>
    %mul3A_68 = arith.mulf %add3A_65, %mul3A_67 : vector<4096x128xf32>
    %round3A = math.roundeven %mul3A_68 : vector<4096x128xf32>
    %mul3A_69 = arith.constant 3.140625 : f32
    %mul3A_70 = vector.broadcast %mul3A_69 : f32 to vector<4096x128xf32>
    %mul3A_71 = arith.mulf %round3A, %mul3A_70 : vector<4096x128xf32>
    %sub3A = arith.subf %add3A_65, %mul3A_71 : vector<4096x128xf32>
    %mul3A_72 = arith.constant 9.67653584E-4 : f32
    %mul3A_73 = vector.broadcast %mul3A_72 : f32 to vector<4096x128xf32>
    %mul3A_74 = arith.mulf %round3A, %mul3A_73 : vector<4096x128xf32>
    %sub3A_75 = arith.subf %sub3A, %mul3A_74 : vector<4096x128xf32>
    %mul3A_76 = arith.mulf %sub3A_75, %sub3A_75 : vector<4096x128xf32>
    %mul3A_77 = arith.constant -2.75573188E-6 : f32
    %mul3A_78 = vector.broadcast %mul3A_77 : f32 to vector<4096x128xf32>
    %mul3A_79 = arith.mulf %mul3A_78, %mul3A_76 : vector<4096x128xf32>
    %add3A_80 = arith.constant 1.98412701E-4 : f32
    %add3A_81 = vector.broadcast %add3A_80 : f32 to vector<4096x128xf32>
    %add3A_82 = arith.addf %mul3A_79, %add3A_81 : vector<4096x128xf32>
    %mul3A_83 = arith.mulf %add3A_82, %mul3A_76 : vector<4096x128xf32>
    %add3A_84 = arith.constant -0.00833333377 : f32
    %add3A_85 = vector.broadcast %add3A_84 : f32 to vector<4096x128xf32>
    %add3A_86 = arith.addf %mul3A_83, %add3A_85 : vector<4096x128xf32>
    %mul3A_87 = arith.mulf %add3A_86, %mul3A_76 : vector<4096x128xf32>
    %add3A_88 = arith.constant 0.166666672 : f32
    %add3A_89 = vector.broadcast %add3A_88 : f32 to vector<4096x128xf32>
    %add3A_90 = arith.addf %mul3A_87, %add3A_89 : vector<4096x128xf32>
    %mul3A_91 = arith.mulf %sub3A_75, %mul3A_76 : vector<4096x128xf32>
    %mul3A_92 = arith.mulf %mul3A_91, %add3A_90 : vector<4096x128xf32>
    %sub3A_93 = arith.subf %sub3A_75, %mul3A_92 : vector<4096x128xf32>
    %convert_element_type3A = arith.fptosi %round3A : vector<4096x128xf32> to vector<4096x128xi32>
    %and3A = arith.constant 1 : i32
    %and3A_94 = vector.broadcast %and3A : i32 to vector<4096x128xi32>
    %and3A_95 = arith.andi %convert_element_type3A, %and3A_94 : vector<4096x128xi32>
    %eq3A = arith.constant 1 : i32
    %eq3A_96 = vector.broadcast %eq3A : i32 to vector<4096x128xi32>
    %eq3A_97 = arith.cmpi eq, %and3A_95, %eq3A_96 : vector<4096x128xi32>
    %neg3A = arith.constant 0.000000e+00 : f32
    %neg3A_98 = vector.broadcast %neg3A : f32 to vector<4096x128xf32>
    %neg3A_99 = arith.subf %neg3A_98, %sub3A_93 : vector<4096x128xf32>
    %select_n3A_100 = arith.select %eq3A_97, %neg3A_99, %sub3A_93 : vector<4096x128xi1>, vector<4096x128xf32>
    %get3A_101 = arith.constant 0 : index
    %get3A_102 = arith.constant 0 : index
    %get3A_103 = vector.load %arg7[%get3A_101, %get3A_102] : memref<128x512xf32, #tpu.memory_space<vmem>>, vector<128x512xf32>
    %dot_general3A = arith.constant dense<0.000000e+00> : vector<4096x512xf32>
    %dot_general3A_104 = tpu.matmul %select_n3A_100, %get3A_103, %dot_general3A {dimension_numbers = #tpu.dot_dimension_numbers<[1], [0], [0], [1], [0, 0, 1, 1], [], []>, transpose_lhs_hint = false} : vector<4096x128xf32>, vector<128x512xf32>, vector<4096x512xf32> -> vector<4096x512xf32>
    %get3A_105 = arith.constant 0 : index
    %get3A_106 = arith.constant 0 : index
    %get3A_107 = vector.load %arg8[%get3A_105, %get3A_106] : memref<1x512xf32, #tpu.memory_space<vmem>>, vector<1x512xf32>
    %add3A_108 = vector.broadcast %get3A_107 : vector<1x512xf32> to vector<4096x512xf32>
    %add3A_109 = arith.addf %dot_general3A_104, %add3A_108 : vector<4096x512xf32>
    %slice3A = vector.extract_strided_slice %add3A_109 {offsets = [0, 0], sizes = [4096, 256], strides = [1, 1]} : vector<4096x512xf32> to vector<4096x256xf32>
    %slice3A_110 = vector.extract_strided_slice %add3A_109 {offsets = [0, 256], sizes = [4096, 256], strides = [1, 1]} : vector<4096x512xf32> to vector<4096x256xf32>
    %get3A_111 = arith.constant 0 : index
    %get3A_112 = arith.constant 0 : index
    %get3A_113 = vector.load %arg3[%get3A_111, %get3A_112] : memref<4096x16xf32, #tpu.memory_space<vmem>>, vector<4096x16xf32>
    %get3A_114 = arith.constant 0 : index
    %get3A_115 = arith.constant 0 : index
    %get3A_116 = vector.load %arg10[%get3A_114, %get3A_115] : memref<16x256xf32, #tpu.memory_space<vmem>>, vector<16x256xf32>
    %dot_general3A_117 = arith.constant dense<0.000000e+00> : vector<4096x256xf32>
    %dot_general3A_118 = tpu.matmul %get3A_113, %get3A_116, %dot_general3A_117 {dimension_numbers = #tpu.dot_dimension_numbers<[1], [0], [0], [1], [0, 0, 1, 1], [], []>, transpose_lhs_hint = false} : vector<4096x16xf32>, vector<16x256xf32>, vector<4096x256xf32> -> vector<4096x256xf32>
    %get3A_119 = arith.constant 0 : index
    %get3A_120 = arith.constant 0 : index
    %get3A_121 = vector.load %arg4[%get3A_119, %get3A_120] : memref<4096x16xf32, #tpu.memory_space<vmem>>, vector<4096x16xf32>
    %get3A_122 = arith.constant 0 : index
    %get3A_123 = arith.constant 0 : index
    %get3A_124 = vector.load %arg10[%get3A_122, %get3A_123] : memref<16x256xf32, #tpu.memory_space<vmem>>, vector<16x256xf32>
    %dot_general3A_125 = arith.constant dense<0.000000e+00> : vector<4096x256xf32>
    %dot_general3A_126 = tpu.matmul %get3A_121, %get3A_124, %dot_general3A_125 {dimension_numbers = #tpu.dot_dimension_numbers<[1], [0], [0], [1], [0, 0, 1, 1], [], []>, transpose_lhs_hint = false} : vector<4096x16xf32>, vector<16x256xf32>, vector<4096x256xf32> -> vector<4096x256xf32>
    %mul3A_127 = arith.mulf %slice3A, %dot_general3A_118 : vector<4096x256xf32>
    %get3A_128 = arith.constant 0 : index
    %get3A_129 = arith.constant 0 : index
    %get3A_130 = vector.load %arg9[%get3A_128, %get3A_129] : memref<256x16xf32, #tpu.memory_space<vmem>>, vector<256x16xf32>
    %dot_general3A_131 = arith.constant dense<0.000000e+00> : vector<4096x16xf32>
    %dot_general3A_132 = tpu.matmul %mul3A_127, %get3A_130, %dot_general3A_131 {dimension_numbers = #tpu.dot_dimension_numbers<[1], [0], [0], [1], [0, 0, 1, 1], [], []>, transpose_lhs_hint = false} : vector<4096x256xf32>, vector<256x16xf32>, vector<4096x16xf32> -> vector<4096x16xf32>
    %swap3A = arith.constant 0 : index
    %swap3A_133 = arith.constant 0 : index
    %swap3A_134 = vector.load %arg11[%swap3A, %swap3A_133] : memref<4096x16xf32, #tpu.memory_space<vmem>>, vector<4096x16xf32>
    tpu.vector_store %arg11[%swap3A, %swap3A_133], %dot_general3A_132 {strides = array<i32>} : memref<4096x16xf32, #tpu.memory_space<vmem>>, vector<4096x16xf32>,
    %mul3A_135 = arith.mulf %slice3A_110, %dot_general3A_126 : vector<4096x256xf32>
    %get3A_136 = arith.constant 0 : index
    %get3A_137 = arith.constant 0 : index
    %get3A_138 = vector.load %arg9[%get3A_136, %get3A_137] : memref<256x16xf32, #tpu.memory_space<vmem>>, vector<256x16xf32>
    %dot_general3A_139 = arith.constant dense<0.000000e+00> : vector<4096x16xf32>
    %dot_general3A_140 = tpu.matmul %mul3A_135, %get3A_138, %dot_general3A_139 {dimension_numbers = #tpu.dot_dimension_numbers<[1], [0], [0], [1], [0, 0, 1, 1], [], []>, transpose_lhs_hint = false} : vector<4096x256xf32>, vector<256x16xf32>, vector<4096x16xf32> -> vector<4096x16xf32>
    %swap3A_141 = arith.constant 0 : index
    %swap3A_142 = arith.constant 0 : index
    %swap3A_143 = vector.load %arg12[%swap3A_141, %swap3A_142] : memref<4096x16xf32, #tpu.memory_space<vmem>>, vector<4096x16xf32>
    tpu.vector_store %arg12[%swap3A_141, %swap3A_142], %dot_general3A_140 {strides = array<i32>} : memref<4096x16xf32, #tpu.memory_space<vmem>>, vector<4096x16xf32>,
    return
  }
  func.func @transform_0(%arg0: i32) -> (i32, i32) {
    %c0_i32 = arith.constant 0 : i32
    %c0_i32_0 = arith.constant 0 : i32
    return %arg0, %c0_i32 : i32, i32
  }
  func.func @transform_1(%arg0: i32) -> (i32, i32) {
    %c0_i32 = arith.constant 0 : i32
    %c0_i32_0 = arith.constant 0 : i32
    return %arg0, %c0_i32 : i32, i32
  }
  func.func @transform_2(%arg0: i32) -> (i32, i32) {
    %c0_i32 = arith.constant 0 : i32
    %c0_i32_0 = arith.constant 0 : i32
    return %arg0, %c0_i32 : i32, i32
  }
  func.func @transform_3(%arg0: i32) -> (i32, i32) {
    %c0_i32 = arith.constant 0 : i32
    %c0_i32_0 = arith.constant 0 : i32
    return %arg0, %c0_i32 : i32, i32
  }
  func.func @transform_4(%arg0: i32) -> (i32, i32) {
    %c0_i32 = arith.constant 0 : i32
    %c0_i32_0 = arith.constant 0 : i32
    %c0_i32_1 = arith.constant 0 : i32
    return %c0_i32, %c0_i32_0 : i32, i32
  }
  func.func @transform_5(%arg0: i32) -> (i32, i32) {
    %c0_i32 = arith.constant 0 : i32
    %c0_i32_0 = arith.constant 0 : i32
    %c0_i32_1 = arith.constant 0 : i32
    return %c0_i32, %c0_i32_0 : i32, i32
  }
  func.func @transform_6(%arg0: i32) -> (i32, i32) {
    %c0_i32 = arith.constant 0 : i32
    %c0_i32_0 = arith.constant 0 : i32
    %c0_i32_1 = arith.constant 0 : i32
    return %c0_i32, %c0_i32_0 : i32, i32
  }
  func.func @transform_7(%arg0: i32) -> (i32, i32) {
    %c0_i32 = arith.constant 0 : i32
    %c0_i32_0 = arith.constant 0 : i32
    %c0_i32_1 = arith.constant 0 : i32
    return %c0_i32, %c0_i32_0 : i32, i32
  }
  func.func @transform_8(%arg0: i32) -> (i32, i32) {
    %c0_i32 = arith.constant 0 : i32
    %c0_i32_0 = arith.constant 0 : i32
    %c0_i32_1 = arith.constant 0 : i32
    return %c0_i32, %c0_i32_0 : i32, i32
  }
  func.func @transform_9(%arg0: i32) -> (i32, i32) {
    %c0_i32 = arith.constant 0 : i32
    %c0_i32_0 = arith.constant 0 : i32
    %c0_i32_1 = arith.constant 0 : i32
    return %c0_i32, %c0_i32_0 : i32, i32
  }
  func.func @transform_10(%arg0: i32) -> (i32, i32) {
    %c0_i32 = arith.constant 0 : i32
    %c0_i32_0 = arith.constant 0 : i32
    return %arg0, %c0_i32 : i32, i32
  }
  func.func @transform_11(%arg0: i32) -> (i32, i32) {
    %c0_i32 = arith.constant 0 : i32
    %c0_i32_0 = arith.constant 0 : i32
    return %arg0, %c0_i32 : i32, i32
  }
}

module attributes {stable_mosaic.version = 14 : i64} {
  func.func @body(%arg0: memref<10240x16xf32, #tpu.memory_space<vmem>>, %arg1: memref<10240x16xf32, #tpu.memory_space<vmem>>, %arg2: memref<10240x16xf32, #tpu.memory_space<vmem>>, %arg3: memref<10240x16xf32, #tpu.memory_space<vmem>>, %arg4: memref<10000x16xf32, #tpu.memory_space<vmem>>, %arg5: memref<10000x16xf32, #tpu.memory_space<vmem>>) attributes {dimension_semantics = [], scalar_prefetch = 0 : i64, scratch_operands = 0 : i64, tpu.core_type = #tpu.core_type<tc>} {
    %get3A = arith.constant 0 : index
    %get3A_0 = arith.constant 0 : index
    %get3A_1 = vector.load %arg0[%get3A, %get3A_0] : memref<10240x16xf32, #tpu.memory_space<vmem>>, vector<10000x16xf32>
    %get3A_2 = arith.constant 0 : index
    %get3A_3 = arith.constant 0 : index
    %get3A_4 = vector.load %arg1[%get3A_2, %get3A_3] : memref<10240x16xf32, #tpu.memory_space<vmem>>, vector<10000x16xf32>
    %add3A = arith.addf %get3A_1, %get3A_4 : vector<10000x16xf32>
    %swap3A = arith.constant 0 : index
    %swap3A_5 = arith.constant 0 : index
    %swap3A_6 = vector.load %arg4[%swap3A, %swap3A_5] : memref<10000x16xf32, #tpu.memory_space<vmem>>, vector<10000x16xf32>
    tpu.vector_store %arg4[%swap3A, %swap3A_5], %add3A {strides = array<i32>} : memref<10000x16xf32, #tpu.memory_space<vmem>>, vector<10000x16xf32>,
    %get3A_7 = arith.constant 0 : index
    %get3A_8 = arith.constant 0 : index
    %get3A_9 = vector.load %arg2[%get3A_7, %get3A_8] : memref<10240x16xf32, #tpu.memory_space<vmem>>, vector<10000x16xf32>
    %get3A_10 = arith.constant 0 : index
    %get3A_11 = arith.constant 0 : index
    %get3A_12 = vector.load %arg3[%get3A_10, %get3A_11] : memref<10240x16xf32, #tpu.memory_space<vmem>>, vector<10000x16xf32>
    %add3A_13 = arith.addf %get3A_9, %get3A_12 : vector<10000x16xf32>
    %swap3A_14 = arith.constant 0 : index
    %swap3A_15 = arith.constant 0 : index
    %swap3A_16 = vector.load %arg5[%swap3A_14, %swap3A_15] : memref<10000x16xf32, #tpu.memory_space<vmem>>, vector<10000x16xf32>
    tpu.vector_store %arg5[%swap3A_14, %swap3A_15], %add3A_13 {strides = array<i32>} : memref<10000x16xf32, #tpu.memory_space<vmem>>, vector<10000x16xf32>,
    return
  }
}

</mosaic_0001>

<sc_bundles>
// kernel: kernel.6.cloned.1.call-start
scs
__scs_entry_jumppad:
0x0: {  	(pc) =	sbr.rel $0x88, $3  }
0x1: {  	(tag) =	ssettag $0x0;
	lr =	simm.s32 $0x1  }
0x2: {  	[smem:$0x3F8E] =	sst lr;
	_ =	strace $0xD0000000  }
0x3: {  	_ = 	snop  }
0x4: {  	_ = 	snop  }
0x5: {  	_ = 	snop  }
0x6: {  	_ = 	snop  }
0x7: {  	_ = 	snop  }
__scs_overlays_trampoline_lowered:
0x8: {  	[smem:$0x3F9D] =	sst s0  }
0x9: {  	[smem:$0x3F9E] =	sst s1  }
0xa: {  	[smem:$0x3F9F] =	sst s2  }
0xb: {  	[smem:$0x3FA0] =	sst s3  }
0xc: {  	[smem:$0x3FA1] =	sst s4  }
0xd: {  	[smem:$0x3FA2] =	sst s5  }
0xe: {  	[smem:$0x3FA3] =	sst s6  }
0xf: {  	[smem:$0x3FA4] =	sst s7  }
0x10: {  	[smem:$0x3FA5] =	sst s8  }
0x11: {  	[smem:$0x3FA6] =	sst s9;
	s0 =	simm.s32 @!p0 $0x0  }
0x12: {  	s1 =	sld [smem:$0x3F8C];
	s0 =	simm.s32 @p0 $0x1  }
0x13: {  	[smem:$0x3FA7] =	sst s0;
	s0 =	simm.s32 @!p1 $0x0  }
0x14: {  	s2 =	sld [smem:$0x3F8B];
	s0 =	simm.s32 @p1 $0x1  }
0x15: {  	[smem:$0x3FA8] =	sst s0;
	s0 =	simm.s32 @!p2 $0x0  }
0x16: {  	s3 =	sld [smem:$0x3FDB];
	s0 =	simm.s32 @p2 $0x1  }
0x17: {  	s4 =	simm.s32 $0x1BF5;
	[smem:$0x3FAA] =	sst s0  }
0x18: {  	s0 =	sld [smem:$0x3F8D];
	_ =	swait.ge [sflag:s4], $0x0  }
0x19: {  	s7 =	sld [smem:$0x3F8E]  }
0x1a: {  	s8 =	sadd.s32 $0xFFFFE003, lr  }
0x1b: {  	s9 =	sadd.s32 $0xFFFFFEF7, lr;
	s5 =	simm.s32 $0xFFFFFFFF;
	p2 =	slt.u32 s8, $0xFFFFF086  }
0x1c: {  	p1 =	slt.u32 s9, $0xF7A;
	s5 =	simm.s32 @!p2 $0x0  }
0x1d: {  	s5 =	simm.s32 @p1 $0x1;
	p0 =	seq.s32 s7, s2  }
0x1e: {  	s7 =	smul.u32 @!p0 $0xF7A, s2;
	p2 =	seq.s32 @!p0 s5, $0x0  }
0x1f: {  	s9 =	smul.u32 $0xF7A, s1;
	s8 =	simm.s32 @!p0 $0x1BF5;
	p2 =	por !p2, p0  }
0x20: {  	[sflag:s8] =	ssyncset.s32 @!p0 $0xFFFFF086;
	s6 =	sadd.s32 @!p0 s3, s7;
	s7 =	simm.s32 @!p0 $0x108  }
0x21: {  	s3 =	sadd.s32 s3, s9;
	s6 =	sadd.s32 @!p0 $0x88, s6;
	s7 =	simm.s32 @p2 $0x1082  }
0x22: {  	[simem:s7], [sflag:s8] =	dma.local @!p0 [hbm:s6], $0xF7A  }
0x23: {  	s9 =	sor.u32 $0xD0000000, s2;
	s6 =	simm.s32 $0x108;
	_ =	swait.ge @!p0 [sflag:s8], $0x0  }
0x24: {  	s3 =	sadd.s32 $0x88, s3;
	s6 =	simm.s32 @!p1 $0x1082;
	[sflag:s4] =	ssyncset.s32 $0xFFFFF086  }
0x25: {  	[simem:s6], [sflag:s4] =	dma.local [hbm:s3], $0xF7A  }
0x26: {  	[smem:$0x3F8E] =	sst s1;
	(tag) =	ssettag s2;
	_ =	strace s9  }
0x27: {  	s1 =	sld [smem:$0x3F9E]  }
0x28: {  	s2 =	sld [smem:$0x3F9F]  }
0x29: {  	s4 =	sld [smem:$0x3FA1]  }
0x2a: {  	p0 =	seq.s32 s5, $0x0;
	s5 =	sld [smem:$0x3FA2]  }
0x2b: {  	s6 =	sld [smem:$0x3FA3]  }
0x2c: {  	s7 =	sld [smem:$0x3FA4]  }
0x2d: {  	s3 =	simm.s32 $0x108;
	s8 =	sld [smem:$0x3FA5]  }
0x2e: {  	s3 =	simm.s32 @!p0 $0x1082;
	s9 =	sld [smem:$0x3FA6]  }
0x2f: {  	lr =	sadd.s32 s0, s3;
	s0 =	sld [smem:$0x3F9D]  }
0x30: {  	s3 =	sld [smem:$0x3FA0]  }
0x31: {  	[smem:$0x3FA9] =	sst s10  }
0x32: {  	s10 =	sld [smem:$0x3FA7];
	_ =	sdelay $0x3  }
0x33: {  	p0 =	seq.s32 s10, $0x1;
	s10 =	sld [smem:$0x3FA9];
	_ =	sdelay $0x3  }
0x34: {  	[smem:$0x3FA9] =	sst s10  }
0x35: {  	s10 =	sld [smem:$0x3FA8];
	_ =	sdelay $0x3  }
0x36: {  	p1 =	seq.s32 s10, $0x1;
	s10 =	sld [smem:$0x3FA9];
	_ =	sdelay $0x3  }
0x37: {  	[smem:$0x3FA9] =	sst s10  }
0x38: {  	s10 =	sld [smem:$0x3FAA]  }
0x39: {  	_ = 	snop;
	(pc) =	sbr.ind lr, $3  }
0x3a: {  	_ = 	snop  }
0x3b: {  	_ = 	snop  }
0x3c: {  	p2 =	seq.s32 s10, $0x1;
	s10 =	sld [smem:$0x3FA9]  }
0x3d: {  	_ =	shalt  }
0x3e: {  	_ =	shalt  }
0x3f: {  	_ =	shalt  }
0x40: {  	_ =	shalt  }
0x41: {  	_ =	shalt  }
0x42: {  	_ =	shalt  }
0x43: {  	_ =	shalt  }
0x44: {  	_ =	shalt  }
0x45: {  	_ =	shalt  }
0x46: {  	_ =	shalt  }
0x47: {  	_ =	shalt  }
0x48: {  	_ =	shalt  }
0x49: {  	_ =	shalt  }
0x4a: {  	_ =	shalt  }
0x4b: {  	_ =	shalt  }
0x4c: {  	_ =	shalt  }
0x4d: {  	_ =	shalt  }
0x4e: {  	_ =	shalt  }
0x4f: {  	_ =	shalt  }
0x50: {  	_ =	shalt  }
0x51: {  	_ =	shalt  }
0x52: {  	_ =	shalt  }
0x53: {  	_ =	shalt  }
0x54: {  	_ =	shalt  }
0x55: {  	_ =	shalt  }
0x56: {  	_ =	shalt  }
0x57: {  	_ =	shalt  }
0x58: {  	_ =	shalt  }
0x59: {  	_ =	shalt  }
0x5a: {  	_ =	shalt  }
0x5b: {  	_ =	shalt  }
0x5c: {  	_ =	shalt  }
0x5d: {  	_ =	shalt  }
0x5e: {  	_ =	shalt  }
0x5f: {  	_ =	shalt  }
0x60: {  	_ =	shalt  }
0x61: {  	_ =	shalt  }
0x62: {  	_ =	shalt  }
0x63: {  	_ =	shalt  }
0x64: {  	_ =	shalt  }
0x65: {  	_ =	shalt  }
0x66: {  	_ =	shalt  }
0x67: {  	_ =	shalt  }
0x68: {  	_ =	shalt  }
0x69: {  	_ =	shalt  }
0x6a: {  	_ =	shalt  }
0x6b: {  	_ =	shalt  }
0x6c: {  	_ =	shalt  }
0x6d: {  	_ =	shalt  }
0x6e: {  	_ =	shalt  }
0x6f: {  	_ =	shalt  }
0x70: {  	_ =	shalt  }
0x71: {  	_ =	shalt  }
0x72: {  	_ =	shalt  }
0x73: {  	_ =	shalt  }
0x74: {  	_ =	shalt  }
0x75: {  	_ =	shalt  }
0x76: {  	_ =	shalt  }
0x77: {  	_ =	shalt  }
0x78: {  	_ =	shalt  }
0x79: {  	_ =	shalt  }
0x7a: {  	_ =	shalt  }
0x7b: {  	_ =	shalt  }
0x7c: {  	_ =	shalt  }
0x7d: {  	_ =	shalt  }
0x7e: {  	_ =	shalt  }
0x7f: {  	_ =	shalt  }
0x80: {  	_ =	shalt  }
0x81: {  	_ =	shalt  }
0x82: {  	_ =	shalt  }
0x83: {  	_ =	shalt  }
0x84: {  	_ =	shalt  }
0x85: {  	_ =	shalt  }
0x86: {  	_ =	shalt  }
0x87: {  	_ =	shalt  }
.Lfunc_end0:
.L_simem_size_0:
called_computation_lowered:
.L_overlay_start_0:
0x88: {  	s2 =	sld [smem:$0x3FD9]  }
0x89: {  	s3 =	sld [smem:$0x3FFE];
	_ =	sdelay $0x1  }
0x8a: {  	s1 =	srdreg.scid  }
0x8b: {  	s0 =	sand.u32 $0x1, s1  }
0x8c: {  	s14 =	sshll.u32 s0, $0xA;
	s2 =	sadd.s32 s3, s2  }
0x8d: {  	s2 =	sadd.s32 s2, s14  }
0x8e: {  	[smem:$0x3FB5] =	sst s2  }
0x8f: {  	_ = 	snop  }
0x90: {  	s2 =	sld [smem:$0x3FD0];
	_ =	sdelay $0x2  }
0x91: {  	s15 =	simm.s32 $0xA;
	s4 =	simm.s32 $0x10  }
0x92: {  	[smem:s4], [sflag:s15] =	dma.local [hbm:s2], $0x1  }
0x93: {  	_ =	swait.eq [sflag:s15], $0x1  }
0x94: {  	[sflag:s15] =	ssyncset.done $0x0  }
0x95: {  	s16 =	sld [smem:$0x10];
	[sflag:s15] =	ssyncadd.s32 $0xFFFFFFFF  }
0x96: {  	s17 =	sld [smem:$0x11];
	(tm) =	ssettm $0x1  }
0x97: {  	s18 =	sld [smem:$0x3FFB];
	_ =	sdelay $0x3  }
0x98: {  	_ =	strace s18  }
0x99: {  	s4 =	sld [smem:$0x3FFC];
	_ =	sdelay $0x3  }
0x9a: {  	_ =	strace s4  }
0x9b: {  	s4 =	sld [smem:$0x3FFD];
	_ =	sdelay $0x3  }
0x9c: {  	_ =	strace s4  }
0x9d: {  	_ =	strace $0x8FFFFFFF  }
0x9e: {  	s19 =	sld [smem:$0x3FDB];
	_ =	sdelay $0x1  }
0x9f: {  	s5 =	simm.s32 $_scs_section_size  }
0xa0: {  	s6 =	simm.s32 $_size__tile_overlayer_lowered;
	s7 =	simm.s32 $_tile_overlayer_lowered  }
0xa1: {  	s22 =	simm.s32 $0x1BFF;
	s21 =	sshll.u32 s7, $0x1;
	s4 =	sadd.s32 s5, s19  }
0xa2: {  	s8 =	simm.s32 $0x0;
	s20 =	sshll.u32 s6, $0x1;
	s6 =	sadd.s32 s21, s4  }
0xa3: {  	[timem:s8], [sflag:s22] =	dma.local [hbm:s6], s20  }
0xa4: {  	_ =	swait.ge [sflag:s22], s20  }
0xa5: {  	s5 =	ssub.s32 $0x0, s20;
	[sflag:s22] =	ssyncset.done $0x0  }
0xa6: {  	[sflag:s22] =	ssyncadd.s32 s5;
	_ =	sdelay $0x1  }
0xa7: {  	s23 =	simm.s32 $0x1B8B  }
0xa8: {  	_ =	swait.ge [sflag:s23], $0x1  }
0xa9: {  	[sflag:s23] =	ssyncset.done $0x0  }
0xaa: {  	s25 =	simm.s32 $0x1B8E;
	s24 =	sld [smem:$0x3FFE];
	[sflag:s23] =	ssyncadd.s32 $0xFFFFFFFF  }
0xab: {  	s26 =	simm.s32 $execute0_lowered;
	[smem:$0x3FD2] =	sst s25  }
0xac: {  	s6 =	sshll.u32 s26, $0x1;
	_ =	strace $0x80000046;
	[dreg:$0x1] =	wrdreg $0xFFFFFFFF  }
0xad: {  	s28 =	simm.s32 $_size_execute0_lowered;
	s4 =	sadd.s32 s4, s6;
	[dreg:$0x0] =	wrdreg $0x0  }
0xae: {  	s6 =	sshll.u32 s28, $0x1;
	[dreg:$0x2] =	wrdreg s4  }
0xaf: {  	[dreg:$0x3] =	wrdreg s6  }
0xb0: {  	[dreg:$0x4] =	wrdreg $0xC0  }
0xb1: {  	_ =	task [dreg:s8], $0x5FFFF  }
0xb2: {  	[dreg:$0x1] =	wrdreg $0xFFFFFFFF  }
0xb3: {  	[dreg:$0x0] =	wrdreg $0x60  }
0xb4: {  	[dreg:$0x2] =	wrdreg s24  }
0xb5: {  	[dreg:$0x3] =	wrdreg s17  }
0xb6: {  	[dreg:$0x4] =	wrdreg s16  }
0xb7: {  	[dreg:$0x5] =	wrdreg $0x9  }
0xb8: {  	_ =	task.clear_ibuf [dreg:s8], $0x6FFFF;
	_ =	strace $0x90000046  }
0xb9: {  	s29 =	simm.s32 $0x9;
	_ =	strace $0x80000048  }
0xba: {  	_ =	swait.ge [sflag:s29], $0x1  }
0xbb: {  	[sflag:s29] =	ssyncadd.s32 $0xFFFFFFFF  }
0xbc: {  	_ =	strace $0x90000048  }
0xbd: {  	_ =	sfence  }
0xbe: {  	s30 =	sld [smem:$0x0];
	_ =	sdelay $0x2  }
0xbf: {  	s31 =	sshll.u32 s1, $0xD;
	s1 =	sshrl.u32 s1, $0x2  }
0xc0: {  	s3 =	sand.u32 $0x4000, s31;
	s1 =	sadd.s32 s1, s30  }
0xc1: {  	s0 =	sor.u32 s3, s0;
	s1 =	sshll.u32 s1, $0x11  }
0xc2: {  	s0 =	sor.u32 s1, s0  }
0xc3: {  	s0 =	sadd.s32 $0x8F2B, s0  }
0xc4: {  	[sflag:s0] =	ssyncadd.remote.s32 $0x1  }
0xc5: {  	_ =	sfence.sel $0xFFFF  }
0xc6: {  	[dreg:$0x0] =	wrdreg $0xFFFFFFFF;
	(pc) =	sbr.abs _section_cstart, $3  }
0xc7: {  	[dreg:$0x1] =	wrdreg $0xFFFFFFFF  }
0xc8: {  	_ =	task.clear_ibuf [dreg:s8], $0x2FFFF;
	_ =	strace $0x9FFFFFFF  }
0xc9: {  	(tm) =	ssettm $0x7FFFFFFF  }
tec
execute0_lowered:
.L_overlay_start_1:
0x0: {  	(tag) =	ssettag $0x1  }
0x1: {  	s7 =	rddreg [dreg:$0x0]  }
0x2: {  	s2 =	rddreg [dreg:$0x1]  }
0x3: {  	s3 =	rddreg [dreg:$0x2]  }
0x4: {  	s0 =	rddreg [dreg:$0x3]  }
0x5: {  	s5 =	srdreg.scid;
	s1 =	stileid.u32;
	s4 =	simm.s32 $0x0  }
0x6: {  	s15 =	simm.s32 $0x2800;
	s16 =	simm.s32 $0x5000;
	s17 =	simm.s32 $0x3  }
0x7: {  	s18 =	simm.s32 $0x6400;
	s19 =	simm.s32 $0x7800;
	s20 =	simm.s32 $0x8C00  }
0x8: {  	s21 =	simm.s32 $0x80;
	s22 =	simm.s32 $0x2;
	s23 =	simm.s32 $0x1  }
0x9: {  	s24 =	simm.s32 $0xA000;
	s6 =	sand.u32 $0x1, s5;
	s30 =	sshll.u32 s1, $0x1  }
0xa: {  	s25 =	simm.s32 $0x0;
	[smem:$0x7FF] =	sst s4;
	s8 =	sor.u32 s6, s30  }
0xb: {  	s5 =	sadd.s32 $0x14200, s7;
	s10 =	ssub.s32 $0x2, s6;
	s9 =	smul.u32 $0x280, s8  }
0xc: {  	_ =	strace $0x80000047;
	s8 =	smul.u32 $0x2800, s8;
	s31 =	sshrl.u32 s10, $0x1  }
0xd: {  	s6 =	sadd.s32 $0xF200, s7;
	s14 =	ssub.s32 s10, s31;
	s11 =	sadd.s32 s9, s7  }
0xe: {  	s13 =	sadd.s32 s8, s7;
	s14 =	smax.u32 s14, $0x1;
	s7 =	sadd.s32 $0x200, s11  }
0xf: {  	s8 =	sadd.s32 $0x5200, s11;
	s9 =	sadd.s32 $0xA200, s11;
	s10 =	sadd.s32 $0x1E200, s11  }
0x10: {  	s11 =	sadd.s32 $0x19200, s11;
	s12 =	sadd.s32 $0x23200, s13;
	s13 =	sadd.s32 $0x73200, s13  }
.LBB2_1:
0x11: {  	[tilespmem:s4], [sflag:$0x2] =	stream.linear.gather [hbm4b:s3+s4], $0x2800, $0x38;
	[tilespmem:$0x1E000] =	vst v63  }
0x12: {  	_ = 	snop  }
0x13: {  	[tilespmem:s15], [sflag:$0x2] =	stream.linear.gather [hbm4b:s2+s4], $0x2800, $0x38;
	[tilespmem:$0x1E000] =	vst v63  }
0x14: {  	_ = 	snop  }
0x15: {  	[tilespmem:s16], [sflag:$0x3] =	stream.linear.gather [hbm4b:s7+s4], $0x1400, $0x38;
	[tilespmem:$0x1E000] =	vst v63  }
0x16: {  	_ =	swait.ge [sflag:s17], $0x1400  }
0x17: {  	[sflag:s17] =	ssyncset.done $0x0  }
0x18: {  	[sflag:s17] =	ssyncadd.s32 $0xFFFFEC00  }
0x19: {  	[tilespmem:s18], [sflag:$0x3] =	stream.linear.gather [hbm4b:s8+s4], $0x1400, $0x38;
	[tilespmem:$0x1E000] =	vst v63  }
0x1a: {  	_ =	swait.ge [sflag:s17], $0x1400  }
0x1b: {  	[sflag:s17] =	ssyncset.done $0x0  }
0x1c: {  	[sflag:s17] =	ssyncadd.s32 $0xFFFFEC00  }
0x1d: {  	[tilespmem:s19], [sflag:$0x3] =	stream.linear.gather [hbm4b:s9+s4], $0x1400, $0x38;
	[tilespmem:$0x1E000] =	vst v63  }
0x1e: {  	_ =	swait.ge [sflag:s17], $0x1400  }
0x1f: {  	[sflag:s17] =	ssyncset.done $0x0  }
0x20: {  	[sflag:s17] =	ssyncadd.s32 $0xFFFFEC00  }
0x21: {  	[tilespmem:s20], [sflag:$0x3] =	stream.linear.gather [hbm4b:s9+s4], $0x1400, $0x38;
	[tilespmem:$0x1E000] =	vst v63  }
0x22: {  	_ =	swait.ge [sflag:s17], $0x1400  }
0x23: {  	[sflag:s17] =	ssyncset.done $0x0  }
0x24: {  	s26 =	simm.s32 $0x6400;
	[sflag:s17] =	ssyncadd.s32 $0xFFFFEC00  }
0x25: {  	[tilespmem:s24], [sflag:$0x1] =	stream.indirect.gather [hbm4b:s5+s21], $0x10, s26, s21, $0xb8;
	[tilespmem:$0x1E000] =	vst v63  }
0x26: {  	s28 =	simm.s32 $0xA000;
	s26 =	simm.s32 $0x200  }
.LBB2_2:
0x27: {  	p0 =	sne.s32 s26, $0x4E00  }
.Ltmp0:
0x28: {  	_ = 	snop;
	(pc) =	sbr.rel @p0 .LBB2_2-.Ltmp0, $4  }
0x29: {  	_ = 	snop  }
0x2a: {  	s29 =	sshra.s32 s26, $0x2;
	s26 =	sadd.s32 $0x200, s26  }
0x2b: {  	s28 =	sadd.s32 $0x800, s28;
	s29 =	sadd.s32 $0x6400, s29  }
0x2c: {  	[tilespmem:s28], [sflag:$0x1] =	stream.indirect.gather [hbm4b:s5+s21], $0x10, s29, s21, $0xb8;
	[tilespmem:$0x1E000] =	vst v63  }
0x2d: {  	_ =	swait.ge [sflag:s22], $0x2800  }
0x2e: {  	[sflag:s22] =	ssyncset.done $0x0  }
0x2f: {  	[sflag:s22] =	ssyncadd.s32 $0xFFFFD800  }
0x30: {  	_ =	swait.ge [sflag:s22], $0x2800  }
0x31: {  	[sflag:s22] =	ssyncset.done $0x0  }
0x32: {  	s26 =	simm.s32 $0x0;
	[sflag:s22] =	ssyncadd.s32 $0xFFFFD800  }
0x33: {  	v0 =	vld [tilespmem:s26+$0x5000];
	_ =	sdelay $0x5  }
0x34: {  	v1 =	vld [tilespmem:s26+$0x7800]  }
0x35: {  	v2 =	vld [tilespmem:s26+$0x6400]  }
0x36: {  	v0 =	vld.idx.msk [tilespmem:v0+s4+$0x0], $0xffff;
	_ =	sdelay $0x4  }
0x37: {  	v0 =	vsub.f32 v0, v1;
	_ =	sdelay $0x1  }
0x38: {  	[tilespmem:s26+$0x7800] =	vst v0;
	v0 =	vld [tilespmem:s26+$0x8C00]  }
0x39: {  	v1 =	vld.idx.msk [tilespmem:v2+s15+$0x0], $0xffff  }
0x3a: {  	v2 =	vld [tilespmem:s26+$0x5010];
	_ =	sdelay $0x4  }
0x3b: {  	v0 =	vsub.f32 v1, v0;
	_ =	sdelay $0x1  }
0x3c: {  	[tilespmem:s26+$0x8C00] =	vst v0;
	v0 =	vld [tilespmem:s26+$0x7810]  }
0x3d: {  	v1 =	vld.idx.msk [tilespmem:v2+s4+$0x0], $0xffff  }
0x3e: {  	v2 =	vld [tilespmem:s26+$0x6410];
	_ =	sdelay $0x4  }
0x3f: {  	v0 =	vsub.f32 v1, v0;
	_ =	sdelay $0x1  }
0x40: {  	[tilespmem:s26+$0x7810] =	vst v0;
	v0 =	vld [tilespmem:s26+$0x8C10]  }
0x41: {  	v1 =	vld.idx.msk [tilespmem:v2+s15+$0x0], $0xffff  }
0x42: {  	v2 =	vld [tilespmem:s26+$0x5020];
	_ =	sdelay $0x4  }
0x43: {  	v0 =	vsub.f32 v1, v0;
	_ =	sdelay $0x1  }
0x44: {  	[tilespmem:s26+$0x8C10] =	vst v0;
	v0 =	vld [tilespmem:s26+$0x7820]  }
0x45: {  	v1 =	vld.idx.msk [tilespmem:v2+s4+$0x0], $0xffff  }
0x46: {  	v2 =	vld [tilespmem:s26+$0x6420];
	_ =	sdelay $0x4  }
0x47: {  	v0 =	vsub.f32 v1, v0;
	_ =	sdelay $0x1  }
0x48: {  	[tilespmem:s26+$0x7820] =	vst v0;
	v0 =	vld [tilespmem:s26+$0x8C20]  }
0x49: {  	v1 =	vld.idx.msk [tilespmem:v2+s15+$0x0], $0xffff  }
0x4a: {  	v2 =	vld [tilespmem:s26+$0x5030];
	_ =	sdelay $0x4  }
0x4b: {  	v0 =	vsub.f32 v1, v0;
	_ =	sdelay $0x1  }
0x4c: {  	[tilespmem:s26+$0x8C20] =	vst v0;
	v0 =	vld [tilespmem:s26+$0x7830]  }
0x4d: {  	v1 =	vld.idx.msk [tilespmem:v2+s4+$0x0], $0xffff  }
0x4e: {  	v2 =	vld [tilespmem:s26+$0x6430];
	_ =	sdelay $0x4  }
0x4f: {  	v0 =	vsub.f32 v1, v0;
	_ =	sdelay $0x1  }
0x50: {  	[tilespmem:s26+$0x7830] =	vst v0;
	v0 =	vld [tilespmem:s26+$0x8C30]  }
0x51: {  	v1 =	vld.idx.msk [tilespmem:v2+s15+$0x0], $0xffff  }
0x52: {  	v2 =	vld [tilespmem:s26+$0x5040];
	_ =	sdelay $0x4  }
0x53: {  	v0 =	vsub.f32 v1, v0;
	_ =	sdelay $0x1  }
0x54: {  	[tilespmem:s26+$0x8C30] =	vst v0;
	v0 =	vld [tilespmem:s26+$0x7840]  }
0x55: {  	v1 =	vld.idx.msk [tilespmem:v2+s4+$0x0], $0xffff  }
0x56: {  	v2 =	vld [tilespmem:s26+$0x6440];
	_ =	sdelay $0x4  }
0x57: {  	v0 =	vsub.f32 v1, v0;
	_ =	sdelay $0x1  }
0x58: {  	[tilespmem:s26+$0x7840] =	vst v0;
	v0 =	vld [tilespmem:s26+$0x8C40]  }
0x59: {  	v1 =	vld.idx.msk [tilespmem:v2+s15+$0x0], $0xffff  }
0x5a: {  	v2 =	vld [tilespmem:s26+$0x5050];
	_ =	sdelay $0x4  }
0x5b: {  	v0 =	vsub.f32 v1, v0;
	_ =	sdelay $0x1  }
0x5c: {  	[tilespmem:s26+$0x8C40] =	vst v0;
	v0 =	vld [tilespmem:s26+$0x7850]  }
0x5d: {  	v1 =	vld.idx.msk [tilespmem:v2+s4+$0x0], $0xffff  }
0x5e: {  	v2 =	vld [tilespmem:s26+$0x6450];
	_ =	sdelay $0x4  }
0x5f: {  	v0 =	vsub.f32 v1, v0;
	_ =	sdelay $0x1  }
0x60: {  	[tilespmem:s26+$0x7850] =	vst v0;
	v0 =	vld [tilespmem:s26+$0x8C50]  }
0x61: {  	v1 =	vld.idx.msk [tilespmem:v2+s15+$0x0], $0xffff  }
0x62: {  	v2 =	vld [tilespmem:s26+$0x5060];
	_ =	sdelay $0x4  }
0x63: {  	v0 =	vsub.f32 v1, v0;
	_ =	sdelay $0x1  }
0x64: {  	[tilespmem:s26+$0x8C50] =	vst v0;
	v0 =	vld [tilespmem:s26+$0x7860]  }
0x65: {  	v1 =	vld.idx.msk [tilespmem:v2+s4+$0x0], $0xffff  }
0x66: {  	v2 =	vld [tilespmem:s26+$0x6460];
	_ =	sdelay $0x4  }
0x67: {  	v0 =	vsub.f32 v1, v0;
	_ =	sdelay $0x1  }
0x68: {  	[tilespmem:s26+$0x7860] =	vst v0;
	v0 =	vld [tilespmem:s26+$0x8C60]  }
0x69: {  	v1 =	vld.idx.msk [tilespmem:v2+s15+$0x0], $0xffff  }
0x6a: {  	v2 =	vld [tilespmem:s26+$0x5070];
	_ =	sdelay $0x4  }
0x6b: {  	v0 =	vsub.f32 v1, v0;
	_ =	sdelay $0x1  }
0x6c: {  	[tilespmem:s26+$0x8C60] =	vst v0;
	v0 =	vld [tilespmem:s26+$0x7870]  }
0x6d: {  	v1 =	vld.idx.msk [tilespmem:v2+s4+$0x0], $0xffff  }
0x6e: {  	v2 =	vld [tilespmem:s26+$0x6470];
	_ =	sdelay $0x4  }
0x6f: {  	v1 =	vsub.f32 v1, v0  }
0x70: {  	s29 =	simm.s32 $0x80  }
0x71: {  	v0 =	vld [tilespmem:s29+$0x5000];
	[tilespmem:s26+$0x7870] =	vst v1  }
0x72: {  	s28 =	simm.s32 $0x400;
	v1 =	vld.idx.msk [tilespmem:v2+s15+$0x0], $0xffff  }
.LBB2_4:
0x73: {  	p0 =	sne.s32 s28, $0x4E00;
	v2 =	vld [tilespmem:s26+$0x8C70];
	_ =	sdelay $0x4  }
0x74: {  	v1 =	vsub.f32 v1, v2;
	_ =	sdelay $0x1  }
0x75: {  	v2 =	vld [tilespmem:s29+$0x7800];
	[tilespmem:s26+$0x8C70] =	vst v1;
	s26 =	smov.u32 s29  }
0x76: {  	v0 =	vld.idx.msk [tilespmem:v0+s4+$0x0], $0xffff  }
0x77: {  	v1 =	vld [tilespmem:s26+$0x6400];
	_ =	sdelay $0x4  }
0x78: {  	v0 =	vsub.f32 v0, v2;
	_ =	sdelay $0x1  }
0x79: {  	[tilespmem:s26+$0x7800] =	vst v0;
	v0 =	vld [tilespmem:s26+$0x8C00]  }
0x7a: {  	v1 =	vld.idx.msk [tilespmem:v1+s15+$0x0], $0xffff  }
0x7b: {  	v2 =	vld [tilespmem:s26+$0x5010];
	_ =	sdelay $0x4  }
0x7c: {  	v0 =	vsub.f32 v1, v0;
	_ =	sdelay $0x1  }
0x7d: {  	[tilespmem:s26+$0x8C00] =	vst v0;
	v0 =	vld [tilespmem:s26+$0x7810]  }
0x7e: {  	v1 =	vld.idx.msk [tilespmem:v2+s4+$0x0], $0xffff  }
0x7f: {  	v2 =	vld [tilespmem:s26+$0x6410];
	_ =	sdelay $0x4  }
0x80: {  	v0 =	vsub.f32 v1, v0;
	_ =	sdelay $0x1  }
0x81: {  	[tilespmem:s26+$0x7810] =	vst v0;
	v0 =	vld [tilespmem:s26+$0x8C10]  }
0x82: {  	v1 =	vld.idx.msk [tilespmem:v2+s15+$0x0], $0xffff  }
0x83: {  	v2 =	vld [tilespmem:s26+$0x5020];
	_ =	sdelay $0x4  }
0x84: {  	v0 =	vsub.f32 v1, v0;
	_ =	sdelay $0x1  }
0x85: {  	[tilespmem:s26+$0x8C10] =	vst v0;
	v0 =	vld [tilespmem:s26+$0x7820]  }
0x86: {  	v1 =	vld.idx.msk [tilespmem:v2+s4+$0x0], $0xffff  }
0x87: {  	v2 =	vld [tilespmem:s26+$0x6420];
	_ =	sdelay $0x4  }
0x88: {  	v0 =	vsub.f32 v1, v0;
	_ =	sdelay $0x1  }
0x89: {  	[tilespmem:s26+$0x7820] =	vst v0;
	v0 =	vld [tilespmem:s26+$0x8C20]  }
0x8a: {  	v1 =	vld.idx.msk [tilespmem:v2+s15+$0x0], $0xffff  }
0x8b: {  	v2 =	vld [tilespmem:s26+$0x5030];
	_ =	sdelay $0x4  }
0x8c: {  	v0 =	vsub.f32 v1, v0;
	_ =	sdelay $0x1  }
0x8d: {  	[tilespmem:s26+$0x8C20] =	vst v0;
	v0 =	vld [tilespmem:s26+$0x7830]  }
0x8e: {  	v1 =	vld.idx.msk [tilespmem:v2+s4+$0x0], $0xffff  }
0x8f: {  	v2 =	vld [tilespmem:s26+$0x6430];
	_ =	sdelay $0x4  }
0x90: {  	v0 =	vsub.f32 v1, v0;
	_ =	sdelay $0x1  }
0x91: {  	[tilespmem:s26+$0x7830] =	vst v0;
	v0 =	vld [tilespmem:s26+$0x8C30]  }
0x92: {  	v1 =	vld.idx.msk [tilespmem:v2+s15+$0x0], $0xffff  }
0x93: {  	v2 =	vld [tilespmem:s26+$0x5040];
	_ =	sdelay $0x4  }
0x94: {  	v0 =	vsub.f32 v1, v0;
	_ =	sdelay $0x1  }
0x95: {  	[tilespmem:s26+$0x8C30] =	vst v0;
	v0 =	vld [tilespmem:s26+$0x7840]  }
0x96: {  	v1 =	vld.idx.msk [tilespmem:v2+s4+$0x0], $0xffff  }
0x97: {  	v2 =	vld [tilespmem:s26+$0x6440];
	_ =	sdelay $0x4  }
0x98: {  	v0 =	vsub.f32 v1, v0;
	_ =	sdelay $0x1  }
0x99: {  	[tilespmem:s26+$0x7840] =	vst v0;
	v0 =	vld [tilespmem:s26+$0x8C40]  }
0x9a: {  	v1 =	vld.idx.msk [tilespmem:v2+s15+$0x0], $0xffff  }
0x9b: {  	v2 =	vld [tilespmem:s26+$0x5050];
	_ =	sdelay $0x4  }
0x9c: {  	v0 =	vsub.f32 v1, v0;
	_ =	sdelay $0x1  }
0x9d: {  	[tilespmem:s26+$0x8C40] =	vst v0;
	v0 =	vld [tilespmem:s26+$0x7850]  }
0x9e: {  	v1 =	vld.idx.msk [tilespmem:v2+s4+$0x0], $0xffff  }
0x9f: {  	v2 =	vld [tilespmem:s26+$0x6450];
	_ =	sdelay $0x4  }
0xa0: {  	v0 =	vsub.f32 v1, v0;
	_ =	sdelay $0x1  }
0xa1: {  	[tilespmem:s26+$0x7850] =	vst v0;
	v0 =	vld [tilespmem:s26+$0x8C50]  }
0xa2: {  	v1 =	vld.idx.msk [tilespmem:v2+s15+$0x0], $0xffff  }
0xa3: {  	v2 =	vld [tilespmem:s26+$0x5060];
	_ =	sdelay $0x4  }
0xa4: {  	v0 =	vsub.f32 v1, v0;
	_ =	sdelay $0x1  }
0xa5: {  	[tilespmem:s26+$0x8C50] =	vst v0;
	v0 =	vld [tilespmem:s26+$0x7860]  }
0xa6: {  	v1 =	vld.idx.msk [tilespmem:v2+s4+$0x0], $0xffff  }
0xa7: {  	v2 =	vld [tilespmem:s26+$0x6460];
	_ =	sdelay $0x4  }
0xa8: {  	v0 =	vsub.f32 v1, v0;
	_ =	sdelay $0x1  }
0xa9: {  	[tilespmem:s26+$0x7860] =	vst v0;
	v0 =	vld [tilespmem:s26+$0x8C60]  }
0xaa: {  	v1 =	vld.idx.msk [tilespmem:v2+s15+$0x0], $0xffff  }
0xab: {  	v2 =	vld [tilespmem:s26+$0x5070];
	_ =	sdelay $0x4  }
0xac: {  	v0 =	vsub.f32 v1, v0;
	_ =	sdelay $0x1  }
0xad: {  	[tilespmem:s26+$0x8C60] =	vst v0;
	v0 =	vld [tilespmem:s26+$0x7870]  }
0xae: {  	v1 =	vld.idx.msk [tilespmem:v2+s4+$0x0], $0xffff  }
0xaf: {  	v2 =	vld [tilespmem:s26+$0x6470];
	_ =	sdelay $0x3  }
.Ltmp1:
0xb0: {  	(pc) =	sbr.rel @p0 .LBB2_4-.Ltmp1, $4  }
0xb1: {  	v1 =	vsub.f32 v1, v0  }
0xb2: {  	s29 =	sshra.s32 s28, $0x2  }
0xb3: {  	v0 =	vld [tilespmem:s29+$0x5000];
	[tilespmem:s26+$0x7870] =	vst v1  }
0xb4: {  	s28 =	sadd.s32 $0x200, s28;
	v1 =	vld.idx.msk [tilespmem:v2+s15+$0x0], $0xffff  }
0xb5: {  	v2 =	vld [tilespmem:s26+$0x8C70];
	_ =	sdelay $0x4  }
0xb6: {  	v1 =	vsub.f32 v1, v2;
	_ =	sdelay $0x1  }
0xb7: {  	v21 =	vld [tilespmem:s29+$0x7800];
	[tilespmem:s26+$0x8C70] =	vst v1  }
0xb8: {  	v0 =	vld.idx.msk [tilespmem:v0+s4+$0x0], $0xffff  }
0xb9: {  	v1 =	vld [tilespmem:s29+$0x6400];
	_ =	sdelay $0x4  }
0xba: {  	v0 =	vsub.f32 v0, v21  }
0xbb: {  	v22 =	vld [tilespmem:s29+$0x8C00]  }
0xbc: {  	v23 =	vld [tilespmem:s29+$0x5010];
	[tilespmem:s29+$0x7800] =	vst v0  }
0xbd: {  	v1 =	vld.idx.msk [tilespmem:v1+s15+$0x0], $0xffff;
	_ =	sdelay $0x4  }
0xbe: {  	v0 =	vsub.f32 v1, v22  }
0xbf: {  	v24 =	vld [tilespmem:s29+$0x7810]  }
0xc0: {  	v26 =	vld [tilespmem:s29+$0x6410];
	[tilespmem:s29+$0x8C00] =	vst v0  }
0xc1: {  	v25 =	vld.idx.msk [tilespmem:v23+s4+$0x0], $0xffff;
	_ =	sdelay $0x4  }
0xc2: {  	v0 =	vsub.f32 v25, v24  }
0xc3: {  	v27 =	vld [tilespmem:s29+$0x8C10]  }
0xc4: {  	v29 =	vld [tilespmem:s29+$0x5020];
	[tilespmem:s29+$0x7810] =	vst v0  }
0xc5: {  	v28 =	vld.idx.msk [tilespmem:v26+s15+$0x0], $0xffff;
	_ =	sdelay $0x4  }
0xc6: {  	v0 =	vsub.f32 v28, v27  }
0xc7: {  	v30 =	vld [tilespmem:s29+$0x7820]  }
0xc8: {  	v32 =	vld [tilespmem:s29+$0x6420];
	[tilespmem:s29+$0x8C10] =	vst v0  }
0xc9: {  	v31 =	vld.idx.msk [tilespmem:v29+s4+$0x0], $0xffff;
	_ =	sdelay $0x4  }
0xca: {  	v0 =	vsub.f32 v31, v30  }
0xcb: {  	v33 =	vld [tilespmem:s29+$0x8C20]  }
0xcc: {  	v35 =	vld [tilespmem:s29+$0x5030];
	[tilespmem:s29+$0x7820] =	vst v0  }
0xcd: {  	v34 =	vld.idx.msk [tilespmem:v32+s15+$0x0], $0xffff;
	_ =	sdelay $0x4  }
0xce: {  	v0 =	vsub.f32 v34, v33  }
0xcf: {  	v36 =	vld [tilespmem:s29+$0x7830]  }
0xd0: {  	v38 =	vld [tilespmem:s29+$0x6430];
	[tilespmem:s29+$0x8C20] =	vst v0  }
0xd1: {  	v37 =	vld.idx.msk [tilespmem:v35+s4+$0x0], $0xffff;
	_ =	sdelay $0x4  }
0xd2: {  	v0 =	vsub.f32 v37, v36  }
0xd3: {  	v39 =	vld [tilespmem:s29+$0x8C30]  }
0xd4: {  	v41 =	vld [tilespmem:s29+$0x5040];
	[tilespmem:s29+$0x7830] =	vst v0  }
0xd5: {  	v40 =	vld.idx.msk [tilespmem:v38+s15+$0x0], $0xffff;
	_ =	sdelay $0x4  }
0xd6: {  	v0 =	vsub.f32 v40, v39  }
0xd7: {  	v42 =	vld [tilespmem:s29+$0x7840]  }
0xd8: {  	v44 =	vld [tilespmem:s29+$0x6440];
	[tilespmem:s29+$0x8C30] =	vst v0  }
0xd9: {  	v43 =	vld.idx.msk [tilespmem:v41+s4+$0x0], $0xffff;
	_ =	sdelay $0x4  }
0xda: {  	v0 =	vsub.f32 v43, v42  }
0xdb: {  	v45 =	vld [tilespmem:s29+$0x8C40]  }
0xdc: {  	v47 =	vld [tilespmem:s29+$0x5050];
	[tilespmem:s29+$0x7840] =	vst v0  }
0xdd: {  	v46 =	vld.idx.msk [tilespmem:v44+s15+$0x0], $0xffff;
	_ =	sdelay $0x4  }
0xde: {  	v0 =	vsub.f32 v46, v45  }
0xdf: {  	v48 =	vld [tilespmem:s29+$0x7850]  }
0xe0: {  	v50 =	vld [tilespmem:s29+$0x6450];
	[tilespmem:s29+$0x8C40] =	vst v0  }
0xe1: {  	v49 =	vld.idx.msk [tilespmem:v47+s4+$0x0], $0xffff;
	_ =	sdelay $0x4  }
0xe2: {  	v0 =	vsub.f32 v49, v48  }
0xe3: {  	v51 =	vld [tilespmem:s29+$0x8C50]  }
0xe4: {  	v53 =	vld [tilespmem:s29+$0x5060];
	[tilespmem:s29+$0x7850] =	vst v0  }
0xe5: {  	v52 =	vld.idx.msk [tilespmem:v50+s15+$0x0], $0xffff;
	_ =	sdelay $0x4  }
0xe6: {  	v0 =	vsub.f32 v52, v51  }
0xe7: {  	v54 =	vld [tilespmem:s29+$0x7860]  }
0xe8: {  	v56 =	vld [tilespmem:s29+$0x6460];
	[tilespmem:s29+$0x8C50] =	vst v0  }
0xe9: {  	v55 =	vld.idx.msk [tilespmem:v53+s4+$0x0], $0xffff;
	_ =	sdelay $0x4  }
0xea: {  	v0 =	vsub.f32 v55, v54  }
0xeb: {  	v57 =	vld [tilespmem:s29+$0x8C60]  }
0xec: {  	v59 =	vld [tilespmem:s29+$0x5070];
	[tilespmem:s29+$0x7860] =	vst v0  }
0xed: {  	v58 =	vld.idx.msk [tilespmem:v56+s15+$0x0], $0xffff;
	_ =	sdelay $0x4  }
0xee: {  	v0 =	vsub.f32 v58, v57  }
0xef: {  	v60 =	vld [tilespmem:s29+$0x7870]  }
0xf0: {  	v62 =	vld [tilespmem:s29+$0x6470];
	[tilespmem:s29+$0x8C60] =	vst v0  }
0xf1: {  	v61 =	vld.idx.msk [tilespmem:v59+s4+$0x0], $0xffff;
	_ =	sdelay $0x4  }
0xf2: {  	v0 =	vsub.f32 v61, v60;
	_ =	sdelay $0x1  }
0xf3: {  	v63 =	vld [tilespmem:s29+$0x8C70];
	[tilespmem:s29+$0x7870] =	vst v0  }
0xf4: {  	v0 =	vld.idx.msk [tilespmem:v62+s15+$0x0], $0xffff;
	_ =	sdelay $0x4  }
0xf5: {  	v0 =	vsub.f32 v0, v63;
	_ =	sdelay $0x1  }
0xf6: {  	s28 =	simm.s32 $0x0;
	[tilespmem:s29+$0x8C70] =	vst v0  }
0xf7: {  	[hbm4b:s10+s28] =	stream.linear.scatter [tilespmem:s19], [sflag:$0x3], $0x1400, $0x38;
	[tilespmem:$0x1E000] =	vst v63  }
0xf8: {  	_ =	swait.ge [sflag:s17], $0x1400  }
0xf9: {  	[sflag:s17] =	ssyncset.done $0x0  }
0xfa: {  	[sflag:s17] =	ssyncadd.s32 $0xFFFFEC00  }
0xfb: {  	[hbm4b:s11+s28] =	stream.linear.scatter [tilespmem:s20], [sflag:$0x3], $0x1400, $0x38;
	[tilespmem:$0x1E000] =	vst v63  }
0xfc: {  	_ =	swait.ge [sflag:s17], $0x1400  }
0xfd: {  	[sflag:s17] =	ssyncset.done $0x0  }
0xfe: {  	[sflag:s17] =	ssyncadd.s32 $0xFFFFEC00  }
0xff: {  	_ =	swait.ge [sflag:s23], $0x14000  }
0x100: {  	[sflag:s23] =	ssyncset.done $0x0  }
0x101: {  	s26 =	simm.s32 $0xA000;
	[sflag:s23] =	ssyncadd.s32 $0xFFFEC000  }
0x102: {  	[hbm4b:s12+s28] =	stream.linear.scatter [tilespmem:s26], [sflag:$0x3], $0x14000, $0x38;
	[tilespmem:$0x1E000] =	vst v63  }
0x103: {  	_ =	swait.ge [sflag:s17], $0x14000  }
0x104: {  	[sflag:s17] =	ssyncset.done $0x0  }
0x105: {  	s28 =	simm.s32 $0x5000;
	[sflag:s17] =	ssyncadd.s32 $0xFFFEC000  }
0x106: {  	[tilespmem:s26], [sflag:$0x1] =	stream.indirect.gather [hbm4b:s6+s21], $0x10, s28, s21, $0xb8;
	[tilespmem:$0x1E000] =	vst v63  }
0x107: {  	s28 =	simm.s32 $0x200  }
.LBB2_6:
0x108: {  	p0 =	sne.s32 s28, $0x4E00  }
.Ltmp2:
0x109: {  	_ = 	snop;
	(pc) =	sbr.rel @p0 .LBB2_6-.Ltmp2, $4  }
0x10a: {  	_ = 	snop  }
0x10b: {  	s29 =	sshra.s32 s28, $0x2;
	s28 =	sadd.s32 $0x200, s28  }
0x10c: {  	s26 =	sadd.s32 $0x800, s26;
	s29 =	sadd.s32 $0x5000, s29  }
0x10d: {  	[tilespmem:s26], [sflag:$0x1] =	stream.indirect.gather [hbm4b:s6+s21], $0x10, s29, s21, $0xb8;
	[tilespmem:$0x1E000] =	vst v63  }
0x10e: {  	_ =	swait.ge [sflag:s23], $0x14000;
	s25 =	sadd.s32 $0x1, s25  }
0x10f: {  	[sflag:s23] =	ssyncset.done $0x0;
	p0 =	sne.s32 s25, s14  }
.Ltmp3:
0x110: {  	[sflag:s23] =	ssyncadd.s32 $0xFFFEC000;
	(pc) =	sbr.rel @p0 .LBB2_1-.Ltmp3, $4  }
0x111: {  	[hbm4b:s13+s4] =	stream.linear.scatter [tilespmem:s24], [sflag:$0x3], $0x14000, $0x38;
	[tilespmem:$0x1E000] =	vst v63  }
0x112: {  	_ =	swait.ge [sflag:s17], $0x14000  }
0x113: {  	[sflag:s17] =	ssyncset.done $0x0  }
0x114: {  	[sflag:s17] =	ssyncadd.s32 $0xFFFEC000  }
0x115: {  	_ =	sfence.sel $0x180000  }
0x116: {  	[bflag:$0x0] =	sbarrier.arrive $0xFFFF  }
0x117: {  	p0 =	sne.s32 s1, $0x0;
	_ =	strace $0x90000047  }
0x118: {  	s0 =	sadd.s32 @!p0 $0x100000, s0;
	[bflag:$0x2] =	sbarrier.arrive $0xFFFF  }
0x119: {  	[sflag:s0] =	ssyncadd.tile.s32 @!p0 $0x1;
	_ =	shalt  }
.Lfunc_end2:
_tile_overlayer_lowered:
.L_overlay_start_2:
0x11a: {  	(tag) =	ssettag $0x2  }
0x11b: {  	s0 =	rddreg [dreg:$0x0];
	s2 =	stileid.u32  }
0x11c: {  	s1 =	rddreg [dreg:$0x1];
	p0 =	sne.s32 s2, $0x0  }
0x11d: {  	s3 =	rddreg [dreg:$0x2];
	[bflag:$0x3] =	sbarrier.arrive $0xFFFF;
	s2 =	simm.s32 @!p0 $0x1C03  }
0x11e: {  	[timem:s3], [sflag:s2] =	dma.local @!p0 [hbm:s0], s1  }
0x11f: {  	s0 =	simm.s32 @!p0 $0x3  }
0x120: {  	_ =	swait.ge @!p0 [sflag:s0], s1  }
0x121: {  	s1 =	ssub.s32 @!p0 $0x0, s1;
	[sflag:s0] =	ssyncset.done @!p0 $0x0  }
0x122: {  	[sflag:s0] =	ssyncadd.s32 @!p0 s1  }
0x123: {  	[bflag:$0x3] =	sbarrier.arrive $0xFFFF  }
0x124: {  	_ =	shalt  }

// kernel: kernel.9.cloned.1.call-start
scs
__scs_entry_jumppad:
0x0: {  	(pc) =	sbr.rel $0x88, $3  }
0x1: {  	(tag) =	ssettag $0x0;
	lr =	simm.s32 $0x1  }
0x2: {  	[smem:$0x3F8E] =	sst lr;
	_ =	strace $0xD0000000  }
0x3: {  	_ = 	snop  }
0x4: {  	_ = 	snop  }
0x5: {  	_ = 	snop  }
0x6: {  	_ = 	snop  }
0x7: {  	_ = 	snop  }
__scs_overlays_trampoline_lowered:
0x8: {  	[smem:$0x3F9D] =	sst s0  }
0x9: {  	[smem:$0x3F9E] =	sst s1  }
0xa: {  	[smem:$0x3F9F] =	sst s2  }
0xb: {  	[smem:$0x3FA0] =	sst s3  }
0xc: {  	[smem:$0x3FA1] =	sst s4  }
0xd: {  	[smem:$0x3FA2] =	sst s5  }
0xe: {  	[smem:$0x3FA3] =	sst s6  }
0xf: {  	[smem:$0x3FA4] =	sst s7  }
0x10: {  	[smem:$0x3FA5] =	sst s8  }
0x11: {  	[smem:$0x3FA6] =	sst s9;
	s0 =	simm.s32 @!p0 $0x0  }
0x12: {  	s1 =	sld [smem:$0x3F8C];
	s0 =	simm.s32 @p0 $0x1  }
0x13: {  	[smem:$0x3FA7] =	sst s0;
	s0 =	simm.s32 @!p1 $0x0  }
0x14: {  	s2 =	sld [smem:$0x3F8B];
	s0 =	simm.s32 @p1 $0x1  }
0x15: {  	[smem:$0x3FA8] =	sst s0;
	s0 =	simm.s32 @!p2 $0x0  }
0x16: {  	s3 =	sld [smem:$0x3FDB];
	s0 =	simm.s32 @p2 $0x1  }
0x17: {  	s4 =	simm.s32 $0x1BF5;
	[smem:$0x3FAA] =	sst s0  }
0x18: {  	s0 =	sld [smem:$0x3F8D];
	_ =	swait.ge [sflag:s4], $0x0  }
0x19: {  	s7 =	sld [smem:$0x3F8E]  }
0x1a: {  	s8 =	sadd.s32 $0xFFFFE003, lr  }
0x1b: {  	s9 =	sadd.s32 $0xFFFFFEF7, lr;
	s5 =	simm.s32 $0xFFFFFFFF;
	p2 =	slt.u32 s8, $0xFFFFF086  }
0x1c: {  	p1 =	slt.u32 s9, $0xF7A;
	s5 =	simm.s32 @!p2 $0x0  }
0x1d: {  	s5 =	simm.s32 @p1 $0x1;
	p0 =	seq.s32 s7, s2  }
0x1e: {  	s7 =	smul.u32 @!p0 $0xF7A, s2;
	p2 =	seq.s32 @!p0 s5, $0x0  }
0x1f: {  	s9 =	smul.u32 $0xF7A, s1;
	s8 =	simm.s32 @!p0 $0x1BF5;
	p2 =	por !p2, p0  }
0x20: {  	[sflag:s8] =	ssyncset.s32 @!p0 $0xFFFFF086;
	s6 =	sadd.s32 @!p0 s3, s7;
	s7 =	simm.s32 @!p0 $0x108  }
0x21: {  	s3 =	sadd.s32 s3, s9;
	s6 =	sadd.s32 @!p0 $0x88, s6;
	s7 =	simm.s32 @p2 $0x1082  }
0x22: {  	[simem:s7], [sflag:s8] =	dma.local @!p0 [hbm:s6], $0xF7A  }
0x23: {  	s9 =	sor.u32 $0xD0000000, s2;
	s6 =	simm.s32 $0x108;
	_ =	swait.ge @!p0 [sflag:s8], $0x0  }
0x24: {  	s3 =	sadd.s32 $0x88, s3;
	s6 =	simm.s32 @!p1 $0x1082;
	[sflag:s4] =	ssyncset.s32 $0xFFFFF086  }
0x25: {  	[simem:s6], [sflag:s4] =	dma.local [hbm:s3], $0xF7A  }
0x26: {  	[smem:$0x3F8E] =	sst s1;
	(tag) =	ssettag s2;
	_ =	strace s9  }
0x27: {  	s1 =	sld [smem:$0x3F9E]  }
0x28: {  	s2 =	sld [smem:$0x3F9F]  }
0x29: {  	s4 =	sld [smem:$0x3FA1]  }
0x2a: {  	p0 =	seq.s32 s5, $0x0;
	s5 =	sld [smem:$0x3FA2]  }
0x2b: {  	s6 =	sld [smem:$0x3FA3]  }
0x2c: {  	s7 =	sld [smem:$0x3FA4]  }
0x2d: {  	s3 =	simm.s32 $0x108;
	s8 =	sld [smem:$0x3FA5]  }
0x2e: {  	s3 =	simm.s32 @!p0 $0x1082;
	s9 =	sld [smem:$0x3FA6]  }
0x2f: {  	lr =	sadd.s32 s0, s3;
	s0 =	sld [smem:$0x3F9D]  }
0x30: {  	s3 =	sld [smem:$0x3FA0]  }
0x31: {  	[smem:$0x3FA9] =	sst s10  }
0x32: {  	s10 =	sld [smem:$0x3FA7];
	_ =	sdelay $0x3  }
0x33: {  	p0 =	seq.s32 s10, $0x1;
	s10 =	sld [smem:$0x3FA9];
	_ =	sdelay $0x3  }
0x34: {  	[smem:$0x3FA9] =	sst s10  }
0x35: {  	s10 =	sld [smem:$0x3FA8];
	_ =	sdelay $0x3  }
0x36: {  	p1 =	seq.s32 s10, $0x1;
	s10 =	sld [smem:$0x3FA9];
	_ =	sdelay $0x3  }
0x37: {  	[smem:$0x3FA9] =	sst s10  }
0x38: {  	s10 =	sld [smem:$0x3FAA]  }
0x39: {  	_ = 	snop;
	(pc) =	sbr.ind lr, $3  }
0x3a: {  	_ = 	snop  }
0x3b: {  	_ = 	snop  }
0x3c: {  	p2 =	seq.s32 s10, $0x1;
	s10 =	sld [smem:$0x3FA9]  }
0x3d: {  	_ =	shalt  }
0x3e: {  	_ =	shalt  }
0x3f: {  	_ =	shalt  }
0x40: {  	_ =	shalt  }
0x41: {  	_ =	shalt  }
0x42: {  	_ =	shalt  }
0x43: {  	_ =	shalt  }
0x44: {  	_ =	shalt  }
0x45: {  	_ =	shalt  }
0x46: {  	_ =	shalt  }
0x47: {  	_ =	shalt  }
0x48: {  	_ =	shalt  }
0x49: {  	_ =	shalt  }
0x4a: {  	_ =	shalt  }
0x4b: {  	_ =	shalt  }
0x4c: {  	_ =	shalt  }
0x4d: {  	_ =	shalt  }
0x4e: {  	_ =	shalt  }
0x4f: {  	_ =	shalt  }
0x50: {  	_ =	shalt  }
0x51: {  	_ =	shalt  }
0x52: {  	_ =	shalt  }
0x53: {  	_ =	shalt  }
0x54: {  	_ =	shalt  }
0x55: {  	_ =	shalt  }
0x56: {  	_ =	shalt  }
0x57: {  	_ =	shalt  }
0x58: {  	_ =	shalt  }
0x59: {  	_ =	shalt  }
0x5a: {  	_ =	shalt  }
0x5b: {  	_ =	shalt  }
0x5c: {  	_ =	shalt  }
0x5d: {  	_ =	shalt  }
0x5e: {  	_ =	shalt  }
0x5f: {  	_ =	shalt  }
0x60: {  	_ =	shalt  }
0x61: {  	_ =	shalt  }
0x62: {  	_ =	shalt  }
0x63: {  	_ =	shalt  }
0x64: {  	_ =	shalt  }
0x65: {  	_ =	shalt  }
0x66: {  	_ =	shalt  }
0x67: {  	_ =	shalt  }
0x68: {  	_ =	shalt  }
0x69: {  	_ =	shalt  }
0x6a: {  	_ =	shalt  }
0x6b: {  	_ =	shalt  }
0x6c: {  	_ =	shalt  }
0x6d: {  	_ =	shalt  }
0x6e: {  	_ =	shalt  }
0x6f: {  	_ =	shalt  }
0x70: {  	_ =	shalt  }
0x71: {  	_ =	shalt  }
0x72: {  	_ =	shalt  }
0x73: {  	_ =	shalt  }
0x74: {  	_ =	shalt  }
0x75: {  	_ =	shalt  }
0x76: {  	_ =	shalt  }
0x77: {  	_ =	shalt  }
0x78: {  	_ =	shalt  }
0x79: {  	_ =	shalt  }
0x7a: {  	_ =	shalt  }
0x7b: {  	_ =	shalt  }
0x7c: {  	_ =	shalt  }
0x7d: {  	_ =	shalt  }
0x7e: {  	_ =	shalt  }
0x7f: {  	_ =	shalt  }
0x80: {  	_ =	shalt  }
0x81: {  	_ =	shalt  }
0x82: {  	_ =	shalt  }
0x83: {  	_ =	shalt  }
0x84: {  	_ =	shalt  }
0x85: {  	_ =	shalt  }
0x86: {  	_ =	shalt  }
0x87: {  	_ =	shalt  }
.Lfunc_end0:
.L_simem_size_0:
called_computation.1_lowered:
.L_overlay_start_0:
0x88: {  	s2 =	sld [smem:$0x3FD9]  }
0x89: {  	s3 =	sld [smem:$0x3FFE];
	_ =	sdelay $0x1  }
0x8a: {  	s1 =	srdreg.scid  }
0x8b: {  	s0 =	sand.u32 $0x1, s1  }
0x8c: {  	s16 =	sshll.u32 s0, $0xA;
	s2 =	sadd.s32 s3, s2  }
0x8d: {  	s2 =	sadd.s32 s2, s16  }
0x8e: {  	[smem:$0x3FB5] =	sst s2  }
0x8f: {  	_ = 	snop  }
0x90: {  	(tm) =	ssettm $0x1  }
0x91: {  	s17 =	sld [smem:$0x3FFB];
	_ =	sdelay $0x3  }
0x92: {  	_ =	strace s17  }
0x93: {  	s2 =	sld [smem:$0x3FFC];
	_ =	sdelay $0x3  }
0x94: {  	_ =	strace s2  }
0x95: {  	s2 =	sld [smem:$0x3FFD];
	_ =	sdelay $0x3  }
0x96: {  	_ =	strace s2  }
0x97: {  	_ =	strace $0x8FFFFFFF  }
0x98: {  	s18 =	sld [smem:$0x3FDB];
	_ =	sdelay $0x1  }
0x99: {  	s19 =	simm.s32 $_scs_section_size  }
0x9a: {  	s4 =	simm.s32 $_size__tile_overlayer_lowered;
	s5 =	simm.s32 $_tile_overlayer_lowered  }
0x9b: {  	s22 =	simm.s32 $0x1BFF;
	s21 =	sshll.u32 s5, $0x1;
	s2 =	sadd.s32 s19, s18  }
0x9c: {  	s6 =	simm.s32 $0x0;
	s20 =	sshll.u32 s4, $0x1;
	s4 =	sadd.s32 s21, s2  }
0x9d: {  	[timem:s6], [sflag:s22] =	dma.local [hbm:s4], s20  }
0x9e: {  	_ =	swait.ge [sflag:s22], s20  }
0x9f: {  	s3 =	ssub.s32 $0x0, s20;
	[sflag:s22] =	ssyncset.done $0x0  }
0xa0: {  	[sflag:s22] =	ssyncadd.s32 s3;
	_ =	sdelay $0x1  }
0xa1: {  	s23 =	simm.s32 $0x1B8B  }
0xa2: {  	_ =	swait.ge [sflag:s23], $0x1  }
0xa3: {  	[sflag:s23] =	ssyncset.done $0x0  }
0xa4: {  	s25 =	simm.s32 $0x1B8E;
	s24 =	sld [smem:$0x3FFE];
	[sflag:s23] =	ssyncadd.s32 $0xFFFFFFFF  }
0xa5: {  	s26 =	simm.s32 $execute0_lowered;
	[smem:$0x3FD2] =	sst s25  }
0xa6: {  	s4 =	sshll.u32 s26, $0x1;
	_ =	strace $0x80000049;
	[dreg:$0x1] =	wrdreg $0xFFFFFFFF  }
0xa7: {  	s28 =	simm.s32 $_size_execute0_lowered;
	s2 =	sadd.s32 s2, s4;
	[dreg:$0x0] =	wrdreg $0x0  }
0xa8: {  	s4 =	sshll.u32 s28, $0x1;
	[dreg:$0x2] =	wrdreg s2  }
0xa9: {  	[dreg:$0x3] =	wrdreg s4  }
0xaa: {  	[dreg:$0x4] =	wrdreg $0xC0  }
0xab: {  	_ =	task [dreg:s6], $0x5FFFF  }
0xac: {  	[dreg:$0x1] =	wrdreg $0xFFFFFFFF  }
0xad: {  	[dreg:$0x0] =	wrdreg $0x60  }
0xae: {  	[dreg:$0x2] =	wrdreg s24  }
0xaf: {  	[dreg:$0x3] =	wrdreg $0x0  }
0xb0: {  	[dreg:$0x4] =	wrdreg $0x28000  }
0xb1: {  	[dreg:$0x5] =	wrdreg $0x9  }
0xb2: {  	_ =	task.clear_ibuf [dreg:s6], $0x6FFFF;
	_ =	strace $0x90000049  }
0xb3: {  	s29 =	simm.s32 $0x9;
	_ =	strace $0x8000004B  }
0xb4: {  	_ =	swait.ge [sflag:s29], $0x1  }
0xb5: {  	[sflag:s29] =	ssyncadd.s32 $0xFFFFFFFF  }
0xb6: {  	_ =	strace $0x9000004B  }
0xb7: {  	_ =	sfence  }
0xb8: {  	s30 =	sld [smem:$0x0];
	_ =	sdelay $0x2  }
0xb9: {  	s31 =	sshll.u32 s1, $0xD;
	s1 =	sshrl.u32 s1, $0x2  }
0xba: {  	s3 =	sand.u32 $0x4000, s31;
	s1 =	sadd.s32 s1, s30  }
0xbb: {  	s0 =	sor.u32 s3, s0;
	s1 =	sshll.u32 s1, $0x11  }
0xbc: {  	s0 =	sor.u32 s1, s0  }
0xbd: {  	s0 =	sadd.s32 $0x8F2B, s0  }
0xbe: {  	[sflag:s0] =	ssyncadd.remote.s32 $0x1  }
0xbf: {  	_ =	sfence.sel $0xFFFF  }
0xc0: {  	[dreg:$0x0] =	wrdreg $0xFFFFFFFF;
	(pc) =	sbr.abs _section_cstart, $3  }
0xc1: {  	[dreg:$0x1] =	wrdreg $0xFFFFFFFF  }
0xc2: {  	_ =	task.clear_ibuf [dreg:s6], $0x2FFFF;
	_ =	strace $0x9FFFFFFF  }
0xc3: {  	(tm) =	ssettm $0x7FFFFFFF  }
tec
execute0_lowered:
.L_overlay_start_1:
0x0: {  	(tag) =	ssettag $0x1  }
0x1: {  	s5 =	rddreg [dreg:$0x0]  }
0x2: {  	s2 =	rddreg [dreg:$0x1]  }
0x3: {  	s3 =	rddreg [dreg:$0x2]  }
0x4: {  	s0 =	rddreg [dreg:$0x3];
	s4 =	srdreg.scid  }
0x5: {  	s1 =	stileid.u32;
	s14 =	simm.s32 $0xA000;
	s15 =	simm.s32 $0x7800  }
0x6: {  	s16 =	simm.s32 $0x2;
	s17 =	simm.s32 $0x8C00;
	s18 =	simm.s32 $0x5000  }
0x7: {  	s19 =	simm.s32 $0x1;
	s20 =	simm.s32 $0x80;
	s21 =	simm.s32 $0x0  }
0x8: {  	s6 =	sand.u32 $0x1, s4;
	s7 =	sshll.u32 s1, $0x1;
	s9 =	smul.u32 $0x2800, s1  }
0x9: {  	s4 =	simm.s32 $0x0;
	s7 =	sor.u32 s6, s7;
	s8 =	smul.u32 $0x28000, s6  }
0xa: {  	[smem:$0x7FF] =	sst s4;
	s6 =	ssub.s32 $0x2, s6;
	s10 =	smul.u32 $0x2800, s7  }
0xb: {  	_ =	strace $0x8000004A;
	s7 =	smul.u32 $0x280, s7;
	s31 =	sshrl.u32 s6, $0x1  }
0xc: {  	s8 =	sadd.s32 s9, s8;
	s13 =	ssub.s32 s6, s31;
	s10 =	sadd.s32 s10, s5  }
0xd: {  	s8 =	sshrl.u32 s8, $0x3;
	s7 =	sadd.s32 s7, s5;
	s13 =	smax.u32 s13, $0x1  }
0xe: {  	s12 =	sadd.s32 s8, s5;
	s5 =	sadd.s32 $0xA200, s10;
	s6 =	sadd.s32 $0x200, s7  }
0xf: {  	s7 =	sadd.s32 $0x5200, s7;
	s8 =	sadd.s32 s9, s2;
	s9 =	sadd.s32 s9, s3  }
0x10: {  	v0 =	vimm.f32 $0.0e+00;
	s10 =	sadd.s32 $0x5A200, s10;
	s11 =	sadd.s32 $0xB4200, s12;
	s12 =	sadd.s32 $0xAA200, s12  }
.LBB2_1:
0x11: {  	[tilespmem:s14], [sflag:$0x1] =	stream.linear.gather [hbm4b:s5+s4], $0x14000, $0x38;
	[tilespmem:$0x1E000] =	vst v63  }
0x12: {  	_ = 	snop  }
0x13: {  	[tilespmem:s15], [sflag:$0x2] =	stream.linear.gather [hbm4b:s6+s4], $0x1400, $0x38;
	[tilespmem:$0x1E000] =	vst v63  }
0x14: {  	_ =	swait.ge [sflag:s16], $0x1400  }
0x15: {  	[sflag:s16] =	ssyncset.done $0x0  }
0x16: {  	[sflag:s16] =	ssyncadd.s32 $0xFFFFEC00  }
0x17: {  	[tilespmem:s17], [sflag:$0x2] =	stream.linear.gather [hbm4b:s7+s4], $0x1400, $0x38;
	[tilespmem:$0x1E000] =	vst v63  }
0x18: {  	_ =	swait.ge [sflag:s16], $0x1400  }
0x19: {  	[sflag:s16] =	ssyncset.done $0x0  }
0x1a: {  	s22 =	simm.s32 $0x40;
	s23 =	simm.s32 $0x0;
	[sflag:s16] =	ssyncadd.s32 $0xFFFFEC00  }
.LBB2_2:
0x1b: {  	p0 =	sne.s32 s22, $0x9FC0;
	[tilespmem:s23+$0x5000] =	vst v0;
	s23 =	smov.u32 s22;
	s22 =	sadd.s32 $0x40, s22  }
.Ltmp0:
0x1c: {  	(pc) =	sbr.rel @p0 .LBB2_2-.Ltmp0, $2  }
0x1d: {  	_ =	sdelay $0x2  }
0x1e: {  	s23 =	sshra.s32 s23, $0x2  }
0x1f: {  	[tilespmem:s23+$0x5000] =	vst v0  }
0x20: {  	[spmem:s8] =	stream.linear.scatter [tilespmem:s18], [sflag:$0x2], $0x2800, $0x38;
	[tilespmem:$0x1E000] =	vst v63  }
0x21: {  	_ =	swait.ge [sflag:s16], $0x2800  }
0x22: {  	[sflag:s16] =	ssyncset.done $0x0  }
0x23: {  	[sflag:s16] =	ssyncadd.s32 $0xFFFFD800  }
0x24: {  	[spmem:s9] =	stream.linear.scatter [tilespmem:s18], [sflag:$0x2], $0x2800, $0x38;
	[tilespmem:$0x1E000] =	vst v63  }
0x25: {  	_ =	swait.ge [sflag:s16], $0x2800  }
0x26: {  	[sflag:s16] =	ssyncset.done $0x0  }
0x27: {  	[sflag:s16] =	ssyncadd.s32 $0xFFFFD800  }
0x28: {  	_ =	swait.ge [sflag:s19], $0x14000  }
0x29: {  	[sflag:s19] =	ssyncset.done $0x0  }
0x2a: {  	s22 =	simm.s32 $0xA000;
	[sflag:s19] =	ssyncadd.s32 $0xFFFEC000  }
0x2b: {  	s31 =	simm.s32 $0x7800;
	s23 =	simm.s32 $0x200;
	[bflag:$0x0] =	sbarrier.arrive $0xFFFF  }
0x2c: {  	[spmem:s2] =	stream.indirect.scatter.add.f32 [tilespmem:s22], [sflag:$0x1], $0x10, s31, s20, $0xb8;
	[tilespmem:$0x1E000] =	vst v63  }
.LBB2_4:
0x2d: {  	p0 =	sne.s32 s23, $0x4E00  }
.Ltmp1:
0x2e: {  	_ = 	snop;
	(pc) =	sbr.rel @p0 .LBB2_4-.Ltmp1, $4  }
0x2f: {  	_ = 	snop  }
0x30: {  	s24 =	sshra.s32 s23, $0x2;
	s23 =	sadd.s32 $0x200, s23  }
0x31: {  	s22 =	sadd.s32 $0x800, s22;
	s24 =	sadd.s32 $0x7800, s24  }
0x32: {  	[spmem:s2] =	stream.indirect.scatter.add.f32 [tilespmem:s22], [sflag:$0x1], $0x10, s24, s20, $0xb8;
	[tilespmem:$0x1E000] =	vst v63  }
0x33: {  	_ =	swait.ge [sflag:s19], $0x14000  }
0x34: {  	[sflag:s19] =	ssyncset.done $0x0  }
0x35: {  	s23 =	simm.s32 $0x0;
	s22 =	simm.s32 $0xA000;
	[sflag:s19] =	ssyncadd.s32 $0xFFFEC000  }
0x36: {  	[tilespmem:s22], [sflag:$0x2] =	stream.linear.gather [hbm4b:s10+s23], $0x14000, $0x38;
	[tilespmem:$0x1E000] =	vst v63  }
0x37: {  	_ =	swait.ge [sflag:s16], $0x14000  }
0x38: {  	[sflag:s16] =	ssyncset.done $0x0  }
0x39: {  	s31 =	simm.s32 $0x8C00;
	s23 =	simm.s32 $0x200;
	[sflag:s16] =	ssyncadd.s32 $0xFFFEC000  }
0x3a: {  	[spmem:s3] =	stream.indirect.scatter.add.f32 [tilespmem:s22], [sflag:$0x1], $0x10, s31, s20, $0xb8;
	[tilespmem:$0x1E000] =	vst v63  }
.LBB2_6:
0x3b: {  	p0 =	sne.s32 s23, $0x4E00  }
.Ltmp2:
0x3c: {  	_ = 	snop;
	(pc) =	sbr.rel @p0 .LBB2_6-.Ltmp2, $4  }
0x3d: {  	_ = 	snop  }
0x3e: {  	s24 =	sshra.s32 s23, $0x2;
	s23 =	sadd.s32 $0x200, s23  }
0x3f: {  	s22 =	sadd.s32 $0x800, s22;
	s24 =	sadd.s32 $0x8C00, s24  }
0x40: {  	[spmem:s3] =	stream.indirect.scatter.add.f32 [tilespmem:s22], [sflag:$0x1], $0x10, s24, s20, $0xb8;
	[tilespmem:$0x1E000] =	vst v63  }
0x41: {  	_ =	swait.ge [sflag:s19], $0x14000  }
0x42: {  	[sflag:s19] =	ssyncset.done $0x0  }
0x43: {  	s22 =	sshll.u32 s1, $0x6;
	[sflag:s19] =	ssyncadd.s32 $0xFFFEC000  }
0x44: {  	s23 =	sshrl.u32 s8, $0x3;
	s22 =	sor.u32 $0x1C02, s22;
	[bflag:$0x0] =	sbarrier.arrive $0xFFFF  }
0x45: {  	[hbm:s11], [sflag:s22] =	dma.local [spmem:s23], $0x500  }
0x46: {  	s21 =	sadd.s32 $0x1, s21;
	_ =	swait.ge [sflag:s16], $0x500  }
0x47: {  	p0 =	sne.s32 s21, s13;
	[sflag:s16] =	ssyncset.done $0x0  }
.Ltmp3:
0x48: {  	s31 =	sshrl.u32 s9, $0x3;
	[sflag:s16] =	ssyncadd.s32 $0xFFFFFB00;
	(pc) =	sbr.rel @p0 .LBB2_1-.Ltmp3, $4  }
0x49: {  	[hbm:s12], [sflag:s22] =	dma.local [spmem:s31], $0x500  }
0x4a: {  	_ =	swait.ge [sflag:s16], $0x500  }
0x4b: {  	[sflag:s16] =	ssyncset.done $0x0  }
0x4c: {  	[sflag:s16] =	ssyncadd.s32 $0xFFFFFB00  }
0x4d: {  	_ =	sfence.sel $0x180000  }
0x4e: {  	[bflag:$0x0] =	sbarrier.arrive $0xFFFF  }
0x4f: {  	p0 =	sne.s32 s1, $0x0;
	_ =	strace $0x9000004A  }
0x50: {  	s0 =	sadd.s32 @!p0 $0x100000, s0;
	[bflag:$0x2] =	sbarrier.arrive $0xFFFF  }
0x51: {  	[sflag:s0] =	ssyncadd.tile.s32 @!p0 $0x1;
	_ =	shalt  }
.Lfunc_end2:
_tile_overlayer_lowered:
.L_overlay_start_2:
0x52: {  	(tag) =	ssettag $0x2  }
0x53: {  	s0 =	rddreg [dreg:$0x0];
	s2 =	stileid.u32  }
0x54: {  	s1 =	rddreg [dreg:$0x1];
	p0 =	sne.s32 s2, $0x0  }
0x55: {  	s3 =	rddreg [dreg:$0x2];
	[bflag:$0x3] =	sbarrier.arrive $0xFFFF;
	s2 =	simm.s32 @!p0 $0x1C02  }
0x56: {  	[timem:s3], [sflag:s2] =	dma.local @!p0 [hbm:s0], s1  }
0x57: {  	s0 =	simm.s32 @!p0 $0x2  }
0x58: {  	_ =	swait.ge @!p0 [sflag:s0], s1  }
0x59: {  	s1 =	ssub.s32 @!p0 $0x0, s1;
	[sflag:s0] =	ssyncset.done @!p0 $0x0  }
0x5a: {  	[sflag:s0] =	ssyncadd.s32 @!p0 s1  }
0x5b: {  	[bflag:$0x3] =	sbarrier.arrive $0xFFFF  }
0x5c: {  	_ =	shalt  }

</sc_bundles>
